<compile_context>
chip_gen: v7x
topology: tpu7x:2x2x1
jax: 0.10.2.dev20260603
libtpu: 0.0.44.dev20260713+nightly
codegen_flags: <defaults>
</compile_context>

<pallas_src>
import functools

import jax
import jax.numpy as jnp
from jax import lax
from jax.experimental import pallas as pl
from jax.experimental.pallas import tpu as pltpu
from jax.experimental.pallas import tpu_sc as plsc

N = 10000
E = 320000
D = 128

NC = 2
NS = 16
NW = NC * NS
CH = 128
NCHUNKS = E // CH
NCHUNK = NCHUNKS // NW
NEXTRA = NCHUNKS - NCHUNK * NW
NBUF = 2
NIBUF = 4
NMAIN = 76
N_PAD = 10240
RPS = N_PAD // NS
BR = 2000


def _sc_segment_sum_body(x_hbm, ei_hbm, zeros_hbm, out_hbm,
                         buf0, buf1, ib0, ib1, ib2, ib3,
                         gsem0, gsem1, isem0, isem1, isem2, isem3,
                         zsem, acc):
    c = lax.axis_index("c")
    s = lax.axis_index("s")
    wid = s * NC + c
    bufs = (buf0, buf1)
    gsems = (gsem0, gsem1)
    ibufs = (ib0, ib1, ib2, ib3)
    isems = (isem0, isem1, isem2, isem3)

    def fire_idx(b, k):
        off = (wid + NW * k) * CH
        pltpu.async_copy(ei_hbm.at[pl.ds(0, 2), pl.ds(off, CH)],
                         ibufs[b], isems[b])

    def wait_idx(b):
        pltpu.make_async_copy(ei_hbm.at[pl.ds(0, 2), pl.ds(0, CH)],
                              ibufs[b], isems[b]).wait()

    def fire_gather(b2, b4):
        pltpu.async_copy(x_hbm.at[ibufs[b4].at[0]], bufs[b2], gsems[b2])

    def wait_gather(b2, b4):
        pltpu.make_async_copy(x_hbm.at[ibufs[b4].at[0]], bufs[b2],
                              gsems[b2]).wait()

    def scatter(b2, b4):
        pltpu.sync_copy(bufs[b2], acc.at[ibufs[b4].at[1]], add=True)

    pltpu.async_copy(zeros_hbm, acc.at[pl.ds(s * RPS, RPS)], zsem)

    for b in range(NIBUF):
        fire_idx(b, b)
    for b in range(NBUF):
        wait_idx(b)
        fire_gather(b, b)

    pltpu.make_async_copy(zeros_hbm, acc.at[pl.ds(s * RPS, RPS)],
                          zsem).wait()
    plsc.subcore_barrier()

    @pl.loop(0, NMAIN, step=NIBUF)
    def _chunk(j):
        for b in range(NIBUF):
            k = j + b
            b2 = b % NBUF
            wait_gather(b2, b)
            scatter(b2, b)

            @pl.when(k + NIBUF < NCHUNK)
            def _prefetch_idx():
                fire_idx(b, k + NIBUF)

            @pl.when(k + NBUF < NCHUNK)
            def _refill():
                bn = (b + NBUF) % NIBUF
                wait_idx(bn)
                fire_gather(b2, bn)

    for k in (NMAIN, NMAIN + 1):
        b = k % NIBUF
        b2 = k % NBUF
        wait_gather(b2, b)
        scatter(b2, b)

    @pl.when(wid < NEXTRA)
    def _extra():
        off = (NCHUNK * NW + wid) * CH
        pltpu.sync_copy(ei_hbm.at[pl.ds(0, 2), pl.ds(off, CH)], ib0)
        pltpu.async_copy(x_hbm.at[ib0.at[0]], buf0, gsem0).wait()
        pltpu.sync_copy(buf0, acc.at[ib0.at[1]], add=True)

    plsc.subcore_barrier()
    pltpu.sync_copy(acc.at[pl.ds(s * RPS, RPS)],
                    out_hbm.at[c, pl.ds(s * RPS, RPS)])


@functools.lru_cache(maxsize=None)
def _sc_segment_sum():
    return pl.kernel(
        _sc_segment_sum_body,
        out_type=jax.ShapeDtypeStruct((NC, N_PAD, D), jnp.float32),
        mesh=plsc.VectorSubcoreMesh(core_axis_name="c", subcore_axis_name="s",
                                    num_cores=NC, num_subcores=NS),
        scratch_types=[pltpu.VMEM((CH, D), jnp.float32) for _ in range(NBUF)]
        + [pltpu.VMEM((2, CH), jnp.int32) for _ in range(NIBUF)]
        + [pltpu.SemaphoreType.DMA for _ in range(NBUF + NIBUF + 1)]
        + [pltpu.VMEM_SHARED((N_PAD, D), jnp.float32)],
    )


def _tc_combine_body(x_ref, p_ref, w1_ref, w2_ref, b2_ref, o_ref):
    f1 = p_ref[0] + p_ref[1]
    dn = (((1,), (1,)), ((), ()))
    o_ref[...] = (
        lax.dot_general(x_ref[...], w2_ref[...], dn,
                        preferred_element_type=jnp.float32)
        + b2_ref[...]
        + lax.dot_general(f1, w1_ref[...], dn,
                          preferred_element_type=jnp.float32)
    )


def kernel(x, edge_index, W1, W2, b2):
    zeros = jnp.zeros((RPS, D), dtype=jnp.float32)

    partials = _sc_segment_sum()(x, edge_index, zeros)

    out = pl.pallas_call(
        _tc_combine_body,
        grid=(N // BR,),
        in_specs=[
            pl.BlockSpec((BR, D), lambda i: (i, 0)),
            pl.BlockSpec((NC, BR, D), lambda i: (0, i, 0)),
            pl.BlockSpec((D, D), lambda i: (0, 0)),
            pl.BlockSpec((D, D), lambda i: (0, 0)),
            pl.BlockSpec((1, D), lambda i: (0, 0)),
        ],
        out_specs=pl.BlockSpec((BR, D), lambda i: (i, 0)),
        out_shape=jax.ShapeDtypeStruct((N, D), jnp.float32),
    )(x, partials, W1, W2, b2.reshape(1, D))
    return out

# --- scband reference (transcript-rebuilt; emitter-appended) ---
"""Pipeline reference for scband-lazy-skip-connection-convolutional-layer-82411832475937 (READ-ONLY COPY).

The authoritative reference and input builder live on the scoring server;
editing this copy changes nothing except your own understanding.
"""

import jax, jax.numpy as jnp
import numpy as np

N = 10000
E = 320000
D = 128

def setup_inputs(seed: int = 0) -> dict:
    key = jax.random.key(seed)
    k1, k2, k3, k4 = jax.random.split(key, 4)
    x = jax.random.normal(k1, (N, D), dtype=jnp.float32)
    edge_index = jax.random.randint(k2, (2, E), 0, N, dtype=jnp.int32)
    # Learned parameters per init_kwargs: lin1 (no bias) and lin2 (bias),
    # both mapping d_feat=128 -> channels_out=128 (lazy-initialized in torch).
    W1 = jax.random.normal(k3, (D, D), dtype=jnp.float32) * (1.0 / np.sqrt(D))
    W2 = jax.random.normal(k4, (D, D), dtype=jnp.float32) * (1.0 / np.sqrt(D))
    b2 = jnp.zeros((D,), dtype=jnp.float32)
    return {"x": x, "edge_index": edge_index, "W1": W1, "W2": W2, "b2": b2}

def reference(x, edge_index, W1, W2, b2):
    # ptensors0 transfer over graph == neighborhood aggregation (scatter-add of
    # source-node features into destination nodes), reduction_type='sum'.
    src = edge_index[0]
    dst = edge_index[1]
    msgs = jnp.take(x, src, axis=0)                      # gather  [E, D]
    F1 = jax.ops.segment_sum(msgs, dst, num_segments=x.shape[0])  # scatter-add [N, D]
    # Skip connection: F = lin2(F) + lin1(F1)
    out = x @ W2.T + b2 + F1 @ W1.T
    return out

if __name__ == "__main__":
    import jax
    _d = setup_inputs()
    print(jax.jit(kernel)(*tuple(_d.values())))

</pallas_src>

<mosaic_0001>
#map = affine_map<(d0, d1) -> (0, 0)>
#map1 = affine_map<(d0, d1) -> (0, 0, 0)>
module attributes {stable_mosaic.version = 14 : i64} {
  func.func @_sc_segment_sum_body(%arg0: i32, %arg1: i32, %arg2: memref<10000x128xf32, #tpu.memory_space<hbm>>, %arg3: memref<2x320000xi32, #tpu.memory_space<hbm>>, %arg4: memref<640x128xf32, #tpu.memory_space<hbm>>, %arg5: memref<2x10240x128xf32, #tpu.memory_space<hbm>>, %arg6: memref<128x128xf32, #tpu.memory_space<vmem>>, %arg7: memref<128x128xf32, #tpu.memory_space<vmem>>, %arg8: memref<2x128xi32, #tpu.memory_space<vmem>>, %arg9: memref<2x128xi32, #tpu.memory_space<vmem>>, %arg10: memref<2x128xi32, #tpu.memory_space<vmem>>, %arg11: memref<2x128xi32, #tpu.memory_space<vmem>>, %arg12: memref<!tpu.dma_semaphore, #tpu.memory_space<semaphore_mem>>, %arg13: memref<!tpu.dma_semaphore, #tpu.memory_space<semaphore_mem>>, %arg14: memref<!tpu.dma_semaphore, #tpu.memory_space<semaphore_mem>>, %arg15: memref<!tpu.dma_semaphore, #tpu.memory_space<semaphore_mem>>, %arg16: memref<!tpu.dma_semaphore, #tpu.memory_space<semaphore_mem>>, %arg17: memref<!tpu.dma_semaphore, #tpu.memory_space<semaphore_mem>>, %arg18: memref<!tpu.dma_semaphore, #tpu.memory_space<semaphore_mem>>, %arg19: memref<10240x128xf32, #tpu.memory_space<vmem_shared>>) attributes {dimension_semantics = [#tpu.dimension_semantics<core_parallel>, #tpu.dimension_semantics<subcore_parallel>], iteration_bounds = array<i64: 2, 16>, scalar_prefetch = 0 : i64, scratch_operands = 14 : i64, tpu.core_type = #tpu.core_type<sc_vector_subcore>, window_params = [{transform_indices = #map}, {transform_indices = #map}, {transform_indices = #map}, {transform_indices = #map1}]} {
    %mul3A = arith.constant 2 : i32
    %mul3A_0 = arith.muli %arg1, %mul3A : i32
    %add3A = arith.addi %mul3A_0, %arg0 : i32
    %mul3A_1 = arith.constant 640 : i32
    %mul3A_2 = arith.muli %arg1, %mul3A_1 : i32
    %dma_start3A = arith.constant 0 : i32
    %dma_start3A_3 = tpu.memref_slice %arg19[%mul3A_2, %dma_start3A] : memref<10240x128xf32, #tpu.memory_space<vmem_shared>> -> memref<640x128xf32, #tpu.memory_space<vmem_shared>>
    tpu.enqueue_dma source(%arg4 : memref<640x128xf32, #tpu.memory_space<hbm>>) target(%dma_start3A_3 : memref<640x128xf32, #tpu.memory_space<vmem_shared>>) target_semaphore(%arg18 : memref<!tpu.dma_semaphore, #tpu.memory_space<semaphore_mem>>)
    %add3A_4 = arith.constant 0 : i32
    %add3A_5 = arith.addi %add3A, %add3A_4 : i32
    %mul3A_6 = arith.constant 128 : i32
    %mul3A_7 = arith.muli %add3A_5, %mul3A_6 : i32
    %dma_start3A_8 = arith.constant 0 : i32
    %dma_start3A_9 = tpu.memref_slice %arg3[%dma_start3A_8, %mul3A_7] : memref<2x320000xi32, #tpu.memory_space<hbm>> -> memref<2x128xi32, #tpu.memory_space<hbm>>
    %dma_start3A_10 = arith.constant 0 : i32
    %dma_start3A_11 = tpu.memref_slice %arg3[%dma_start3A_10, %mul3A_7] : memref<2x320000xi32, #tpu.memory_space<hbm>> -> memref<2x128xi32, #tpu.memory_space<hbm>>
    tpu.enqueue_dma source(%dma_start3A_11 : memref<2x128xi32, #tpu.memory_space<hbm>>) target(%arg8 : memref<2x128xi32, #tpu.memory_space<vmem>>) target_semaphore(%arg14 : memref<!tpu.dma_semaphore, #tpu.memory_space<semaphore_mem>>)
    %add3A_12 = arith.constant 32 : i32
    %add3A_13 = arith.addi %add3A, %add3A_12 : i32
    %mul3A_14 = arith.constant 128 : i32
    %mul3A_15 = arith.muli %add3A_13, %mul3A_14 : i32
    %dma_start3A_16 = arith.constant 0 : i32
    %dma_start3A_17 = tpu.memref_slice %arg3[%dma_start3A_16, %mul3A_15] : memref<2x320000xi32, #tpu.memory_space<hbm>> -> memref<2x128xi32, #tpu.memory_space<hbm>>
    %dma_start3A_18 = arith.constant 0 : i32
    %dma_start3A_19 = tpu.memref_slice %arg3[%dma_start3A_18, %mul3A_15] : memref<2x320000xi32, #tpu.memory_space<hbm>> -> memref<2x128xi32, #tpu.memory_space<hbm>>
    tpu.enqueue_dma source(%dma_start3A_19 : memref<2x128xi32, #tpu.memory_space<hbm>>) target(%arg9 : memref<2x128xi32, #tpu.memory_space<vmem>>) target_semaphore(%arg15 : memref<!tpu.dma_semaphore, #tpu.memory_space<semaphore_mem>>)
    %add3A_20 = arith.constant 64 : i32
    %add3A_21 = arith.addi %add3A, %add3A_20 : i32
    %mul3A_22 = arith.constant 128 : i32
    %mul3A_23 = arith.muli %add3A_21, %mul3A_22 : i32
    %dma_start3A_24 = arith.constant 0 : i32
    %dma_start3A_25 = tpu.memref_slice %arg3[%dma_start3A_24, %mul3A_23] : memref<2x320000xi32, #tpu.memory_space<hbm>> -> memref<2x128xi32, #tpu.memory_space<hbm>>
    %dma_start3A_26 = arith.constant 0 : i32
    %dma_start3A_27 = tpu.memref_slice %arg3[%dma_start3A_26, %mul3A_23] : memref<2x320000xi32, #tpu.memory_space<hbm>> -> memref<2x128xi32, #tpu.memory_space<hbm>>
    tpu.enqueue_dma source(%dma_start3A_27 : memref<2x128xi32, #tpu.memory_space<hbm>>) target(%arg10 : memref<2x128xi32, #tpu.memory_space<vmem>>) target_semaphore(%arg16 : memref<!tpu.dma_semaphore, #tpu.memory_space<semaphore_mem>>)
    %add3A_28 = arith.constant 96 : i32
    %add3A_29 = arith.addi %add3A, %add3A_28 : i32
    %mul3A_30 = arith.constant 128 : i32
    %mul3A_31 = arith.muli %add3A_29, %mul3A_30 : i32
    %dma_start3A_32 = arith.constant 0 : i32
    %dma_start3A_33 = tpu.memref_slice %arg3[%dma_start3A_32, %mul3A_31] : memref<2x320000xi32, #tpu.memory_space<hbm>> -> memref<2x128xi32, #tpu.memory_space<hbm>>
    %dma_start3A_34 = arith.constant 0 : i32
    %dma_start3A_35 = tpu.memref_slice %arg3[%dma_start3A_34, %mul3A_31] : memref<2x320000xi32, #tpu.memory_space<hbm>> -> memref<2x128xi32, #tpu.memory_space<hbm>>
    tpu.enqueue_dma source(%dma_start3A_35 : memref<2x128xi32, #tpu.memory_space<hbm>>) target(%arg11 : memref<2x128xi32, #tpu.memory_space<vmem>>) target_semaphore(%arg17 : memref<!tpu.dma_semaphore, #tpu.memory_space<semaphore_mem>>)
    %dma_wait3A = arith.constant 0 : i32
    %dma_wait3A_36 = arith.constant 0 : i32
    %dma_wait3A_37 = tpu.memref_slice %arg3[%dma_wait3A, %dma_wait3A_36] : memref<2x320000xi32, #tpu.memory_space<hbm>> -> memref<2x128xi32, #tpu.memory_space<hbm>>
    %dma_wait3A_38 = arith.constant 0 : i32
    %dma_wait3A_39 = arith.constant 0 : i32
    %dma_wait3A_40 = tpu.memref_slice %arg3[%dma_wait3A_38, %dma_wait3A_39] : memref<2x320000xi32, #tpu.memory_space<hbm>> -> memref<2x128xi32, #tpu.memory_space<hbm>>
    tpu.wait_dma2 semaphore(%arg14 : memref<!tpu.dma_semaphore, #tpu.memory_space<semaphore_mem>>) src(%dma_wait3A_40 : memref<2x128xi32, #tpu.memory_space<hbm>>) dst(%arg8 : memref<2x128xi32, #tpu.memory_space<vmem>>)
    %dma_start3A_41 = arith.constant 0 : i32
    %dma_start3A_42 = arith.constant 0 : i32
    %dma_start3A_43 = tpu.memref_slice %arg8[%dma_start3A_41, %dma_start3A_42] : memref<2x128xi32, #tpu.memory_space<vmem>> -> memref<1x128xi32, #tpu.memory_space<vmem>>
    %dma_start3A_44 = tpu.memref_squeeze %dma_start3A_43 : memref<1x128xi32, #tpu.memory_space<vmem>> -> memref<128xi32, #tpu.memory_space<vmem>>
    %dma_start3A_45 = arith.constant 0 : i32
    %dma_start3A_46 = arith.constant 0 : i32
    %dma_start3A_47 = tpu.memref_slice %arg2[%dma_start3A_45, %dma_start3A_46] : memref<10000x128xf32, #tpu.memory_space<hbm>> -> memref<10000x128xf32, #tpu.memory_space<hbm>>
    tpu.enqueue_indirect_dma source(%dma_start3A_47 : memref<10000x128xf32, #tpu.memory_space<hbm>>) target(%arg6 : memref<128x128xf32, #tpu.memory_space<vmem>>) offsets(%dma_start3A_44 : memref<128xi32, #tpu.memory_space<vmem>>) semaphore(%arg12 : memref<!tpu.dma_semaphore, #tpu.memory_space<semaphore_mem>>)
    %dma_wait3A_48 = arith.constant 0 : i32
    %dma_wait3A_49 = arith.constant 0 : i32
    %dma_wait3A_50 = tpu.memref_slice %arg3[%dma_wait3A_48, %dma_wait3A_49] : memref<2x320000xi32, #tpu.memory_space<hbm>> -> memref<2x128xi32, #tpu.memory_space<hbm>>
    %dma_wait3A_51 = arith.constant 0 : i32
    %dma_wait3A_52 = arith.constant 0 : i32
    %dma_wait3A_53 = tpu.memref_slice %arg3[%dma_wait3A_51, %dma_wait3A_52] : memref<2x320000xi32, #tpu.memory_space<hbm>> -> memref<2x128xi32, #tpu.memory_space<hbm>>
    tpu.wait_dma2 semaphore(%arg15 : memref<!tpu.dma_semaphore, #tpu.memory_space<semaphore_mem>>) src(%dma_wait3A_53 : memref<2x128xi32, #tpu.memory_space<hbm>>) dst(%arg9 : memref<2x128xi32, #tpu.memory_space<vmem>>)
    %dma_start3A_54 = arith.constant 0 : i32
    %dma_start3A_55 = arith.constant 0 : i32
    %dma_start3A_56 = tpu.memref_slice %arg9[%dma_start3A_54, %dma_start3A_55] : memref<2x128xi32, #tpu.memory_space<vmem>> -> memref<1x128xi32, #tpu.memory_space<vmem>>
    %dma_start3A_57 = tpu.memref_squeeze %dma_start3A_56 : memref<1x128xi32, #tpu.memory_space<vmem>> -> memref<128xi32, #tpu.memory_space<vmem>>
    %dma_start3A_58 = arith.constant 0 : i32
    %dma_start3A_59 = arith.constant 0 : i32
    %dma_start3A_60 = tpu.memref_slice %arg2[%dma_start3A_58, %dma_start3A_59] : memref<10000x128xf32, #tpu.memory_space<hbm>> -> memref<10000x128xf32, #tpu.memory_space<hbm>>
    tpu.enqueue_indirect_dma source(%dma_start3A_60 : memref<10000x128xf32, #tpu.memory_space<hbm>>) target(%arg7 : memref<128x128xf32, #tpu.memory_space<vmem>>) offsets(%dma_start3A_57 : memref<128xi32, #tpu.memory_space<vmem>>) semaphore(%arg13 : memref<!tpu.dma_semaphore, #tpu.memory_space<semaphore_mem>>)
    %mul3A_61 = arith.constant 640 : i32
    %mul3A_62 = arith.muli %arg1, %mul3A_61 : i32
    %dma_wait3A_63 = arith.constant 0 : i32
    %dma_wait3A_64 = tpu.memref_slice %arg19[%mul3A_62, %dma_wait3A_63] : memref<10240x128xf32, #tpu.memory_space<vmem_shared>> -> memref<640x128xf32, #tpu.memory_space<vmem_shared>>
    tpu.wait_dma2 semaphore(%arg18 : memref<!tpu.dma_semaphore, #tpu.memory_space<semaphore_mem>>) src(%arg4 : memref<640x128xf32, #tpu.memory_space<hbm>>) dst(%dma_wait3A_64 : memref<640x128xf32, #tpu.memory_space<vmem_shared>>)
    %barrier3A = arith.constant 0 : index
    tpu.barrier barrier_id(%barrier3A)
    %scan3A = arith.constant 0 : i32
    %scan3A_65 = arith.constant 19 : i32
    %scan3A_66 = arith.addi %scan3A, %scan3A_65 : i32
    %scan3A_67 = arith.constant 1 : i32
    scf.for %scan3A_91 = %scan3A to %scan3A_66 step %scan3A_67  : i32 {
      %mul3A_92 = arith.constant 4 : i32
      %mul3A_93 = arith.muli %scan3A_91, %mul3A_92 : i32
      %add3A_94 = arith.constant 0 : i32
      %add3A_95 = arith.addi %add3A_94, %mul3A_93 : i32
      %add3A_96 = arith.constant 0 : i32
      %add3A_97 = arith.addi %add3A_95, %add3A_96 : i32
      %dma_wait3A_98 = arith.constant 0 : i32
      %dma_wait3A_99 = arith.constant 0 : i32
      %dma_wait3A_100 = tpu.memref_slice %arg8[%dma_wait3A_98, %dma_wait3A_99] : memref<2x128xi32, #tpu.memory_space<vmem>> -> memref<1x128xi32, #tpu.memory_space<vmem>>
      %dma_wait3A_101 = tpu.memref_squeeze %dma_wait3A_100 : memref<1x128xi32, #tpu.memory_space<vmem>> -> memref<128xi32, #tpu.memory_space<vmem>>
      %dma_wait3A_102 = arith.constant 0 : i32
      %dma_wait3A_103 = arith.constant 0 : i32
      %dma_wait3A_104 = tpu.memref_slice %arg2[%dma_wait3A_102, %dma_wait3A_103] : memref<10000x128xf32, #tpu.memory_space<hbm>> -> memref<10000x128xf32, #tpu.memory_space<hbm>>
      tpu.wait_indirect_dma semaphore(%arg12 : memref<!tpu.dma_semaphore, #tpu.memory_space<semaphore_mem>>) src(%dma_wait3A_104 : memref<10000x128xf32, #tpu.memory_space<hbm>>) dst(%arg6 : memref<128x128xf32, #tpu.memory_space<vmem>>)
      %run_scoped3A_105 = arith.constant 1 : i32
      "tpu.region"() ({
        %run_scoped3A_192 = tpu.sem_alloc : memref<!tpu.dma_semaphore, #tpu.memory_space<semaphore_mem>>
        %dma_start3A_193 = arith.constant 0 : i32
        %dma_start3A_194 = tpu.memref_slice %arg8[%run_scoped3A_105, %dma_start3A_193] : memref<2x128xi32, #tpu.memory_space<vmem>> -> memref<1x128xi32, #tpu.memory_space<vmem>>
        %dma_start3A_195 = tpu.memref_squeeze %dma_start3A_194 : memref<1x128xi32, #tpu.memory_space<vmem>> -> memref<128xi32, #tpu.memory_space<vmem>>
        %dma_start3A_196 = arith.constant 0 : i32
        %dma_start3A_197 = arith.constant 0 : i32
        %dma_start3A_198 = tpu.memref_slice %arg19[%dma_start3A_196, %dma_start3A_197] : memref<10240x128xf32, #tpu.memory_space<vmem_shared>> -> memref<10240x128xf32, #tpu.memory_space<vmem_shared>>
        tpu.enqueue_indirect_dma source(%arg6 : memref<128x128xf32, #tpu.memory_space<vmem>>) target(%dma_start3A_198 : memref<10240x128xf32, #tpu.memory_space<vmem_shared>>) offsets(%dma_start3A_195 : memref<128xi32, #tpu.memory_space<vmem>>) semaphore(%run_scoped3A_192 : memref<!tpu.dma_semaphore, #tpu.memory_space<semaphore_mem>>) {add = true}
        %dma_wait3A_199 = arith.constant 0 : i32
        %dma_wait3A_200 = tpu.memref_slice %arg8[%run_scoped3A_105, %dma_wait3A_199] : memref<2x128xi32, #tpu.memory_space<vmem>> -> memref<1x128xi32, #tpu.memory_space<vmem>>
        %dma_wait3A_201 = tpu.memref_squeeze %dma_wait3A_200 : memref<1x128xi32, #tpu.memory_space<vmem>> -> memref<128xi32, #tpu.memory_space<vmem>>
        %dma_wait3A_202 = arith.constant 0 : i32
        %dma_wait3A_203 = arith.constant 0 : i32
        %dma_wait3A_204 = tpu.memref_slice %arg19[%dma_wait3A_202, %dma_wait3A_203] : memref<10240x128xf32, #tpu.memory_space<vmem_shared>> -> memref<10240x128xf32, #tpu.memory_space<vmem_shared>>
        tpu.wait_indirect_dma semaphore(%run_scoped3A_192 : memref<!tpu.dma_semaphore, #tpu.memory_space<semaphore_mem>>) src(%arg6 : memref<128x128xf32, #tpu.memory_space<vmem>>) dst(%dma_wait3A_204 : memref<10240x128xf32, #tpu.memory_space<vmem_shared>>)
        tpu.yield
      }) : () -> ()
      %add3A_106 = arith.constant 4 : i32
      %add3A_107 = arith.addi %add3A_97, %add3A_106 : i32
      %lt3A_108 = arith.constant 78 : i32
      %lt3A_109 = arith.cmpi slt, %add3A_107, %lt3A_108 : i32
      %convert_element_type3A_110 = arith.extui %lt3A_109 : i1 to i32
      %cond3A_111 = arith.constant 0 : i32
      %cond3A_112 = arith.cmpi ne, %convert_element_type3A_110, %cond3A_111 : i32
      scf.if %cond3A_112 {
        %add3A_192 = arith.constant 4 : i32
        %add3A_193 = arith.addi %add3A_97, %add3A_192 : i32
        %mul3A_194 = arith.constant 32 : i32
        %mul3A_195 = arith.muli %mul3A_194, %add3A_193 : i32
        %add3A_196 = arith.addi %add3A, %mul3A_195 : i32
        %mul3A_197 = arith.constant 128 : i32
        %mul3A_198 = arith.muli %add3A_196, %mul3A_197 : i32
        %dma_start3A_199 = arith.constant 0 : i32
        %dma_start3A_200 = tpu.memref_slice %arg3[%dma_start3A_199, %mul3A_198] : memref<2x320000xi32, #tpu.memory_space<hbm>> -> memref<2x128xi32, #tpu.memory_space<hbm>>
        %dma_start3A_201 = arith.constant 0 : i32
        %dma_start3A_202 = tpu.memref_slice %arg3[%dma_start3A_201, %mul3A_198] : memref<2x320000xi32, #tpu.memory_space<hbm>> -> memref<2x128xi32, #tpu.memory_space<hbm>>
        tpu.enqueue_dma source(%dma_start3A_202 : memref<2x128xi32, #tpu.memory_space<hbm>>) target(%arg8 : memref<2x128xi32, #tpu.memory_space<vmem>>) target_semaphore(%arg14 : memref<!tpu.dma_semaphore, #tpu.memory_space<semaphore_mem>>)
      } else {
      }
      %add3A_113 = arith.constant 2 : i32
      %add3A_114 = arith.addi %add3A_97, %add3A_113 : i32
      %lt3A_115 = arith.constant 78 : i32
      %lt3A_116 = arith.cmpi slt, %add3A_114, %lt3A_115 : i32
      %convert_element_type3A_117 = arith.extui %lt3A_116 : i1 to i32
      %cond3A_118 = arith.constant 0 : i32
      %cond3A_119 = arith.cmpi ne, %convert_element_type3A_117, %cond3A_118 : i32
      scf.if %cond3A_119 {
        %dma_wait3A_192 = arith.constant 0 : i32
        %dma_wait3A_193 = arith.constant 0 : i32
        %dma_wait3A_194 = tpu.memref_slice %arg3[%dma_wait3A_192, %dma_wait3A_193] : memref<2x320000xi32, #tpu.memory_space<hbm>> -> memref<2x128xi32, #tpu.memory_space<hbm>>
        %dma_wait3A_195 = arith.constant 0 : i32
        %dma_wait3A_196 = arith.constant 0 : i32
        %dma_wait3A_197 = tpu.memref_slice %arg3[%dma_wait3A_195, %dma_wait3A_196] : memref<2x320000xi32, #tpu.memory_space<hbm>> -> memref<2x128xi32, #tpu.memory_space<hbm>>
        tpu.wait_dma2 semaphore(%arg16 : memref<!tpu.dma_semaphore, #tpu.memory_space<semaphore_mem>>) src(%dma_wait3A_197 : memref<2x128xi32, #tpu.memory_space<hbm>>) dst(%arg10 : memref<2x128xi32, #tpu.memory_space<vmem>>)
        %dma_start3A_198 = arith.constant 0 : i32
        %dma_start3A_199 = arith.constant 0 : i32
        %dma_start3A_200 = tpu.memref_slice %arg10[%dma_start3A_198, %dma_start3A_199] : memref<2x128xi32, #tpu.memory_space<vmem>> -> memref<1x128xi32, #tpu.memory_space<vmem>>
        %dma_start3A_201 = tpu.memref_squeeze %dma_start3A_200 : memref<1x128xi32, #tpu.memory_space<vmem>> -> memref<128xi32, #tpu.memory_space<vmem>>
        %dma_start3A_202 = arith.constant 0 : i32
        %dma_start3A_203 = arith.constant 0 : i32
        %dma_start3A_204 = tpu.memref_slice %arg2[%dma_start3A_202, %dma_start3A_203] : memref<10000x128xf32, #tpu.memory_space<hbm>> -> memref<10000x128xf32, #tpu.memory_space<hbm>>
        tpu.enqueue_indirect_dma source(%dma_start3A_204 : memref<10000x128xf32, #tpu.memory_space<hbm>>) target(%arg6 : memref<128x128xf32, #tpu.memory_space<vmem>>) offsets(%dma_start3A_201 : memref<128xi32, #tpu.memory_space<vmem>>) semaphore(%arg12 : memref<!tpu.dma_semaphore, #tpu.memory_space<semaphore_mem>>)
      } else {
      }
      %add3A_120 = arith.constant 1 : i32
      %add3A_121 = arith.addi %add3A_95, %add3A_120 : i32
      %dma_wait3A_122 = arith.constant 0 : i32
      %dma_wait3A_123 = arith.constant 0 : i32
      %dma_wait3A_124 = tpu.memref_slice %arg9[%dma_wait3A_122, %dma_wait3A_123] : memref<2x128xi32, #tpu.memory_space<vmem>> -> memref<1x128xi32, #tpu.memory_space<vmem>>
      %dma_wait3A_125 = tpu.memref_squeeze %dma_wait3A_124 : memref<1x128xi32, #tpu.memory_space<vmem>> -> memref<128xi32, #tpu.memory_space<vmem>>
      %dma_wait3A_126 = arith.constant 0 : i32
      %dma_wait3A_127 = arith.constant 0 : i32
      %dma_wait3A_128 = tpu.memref_slice %arg2[%dma_wait3A_126, %dma_wait3A_127] : memref<10000x128xf32, #tpu.memory_space<hbm>> -> memref<10000x128xf32, #tpu.memory_space<hbm>>
      tpu.wait_indirect_dma semaphore(%arg13 : memref<!tpu.dma_semaphore, #tpu.memory_space<semaphore_mem>>) src(%dma_wait3A_128 : memref<10000x128xf32, #tpu.memory_space<hbm>>) dst(%arg7 : memref<128x128xf32, #tpu.memory_space<vmem>>)
      %run_scoped3A_129 = arith.constant 1 : i32
      "tpu.region"() ({
        %run_scoped3A_192 = tpu.sem_alloc : memref<!tpu.dma_semaphore, #tpu.memory_space<semaphore_mem>>
        %dma_start3A_193 = arith.constant 0 : i32
        %dma_start3A_194 = tpu.memref_slice %arg9[%run_scoped3A_129, %dma_start3A_193] : memref<2x128xi32, #tpu.memory_space<vmem>> -> memref<1x128xi32, #tpu.memory_space<vmem>>
        %dma_start3A_195 = tpu.memref_squeeze %dma_start3A_194 : memref<1x128xi32, #tpu.memory_space<vmem>> -> memref<128xi32, #tpu.memory_space<vmem>>
        %dma_start3A_196 = arith.constant 0 : i32
        %dma_start3A_197 = arith.constant 0 : i32
        %dma_start3A_198 = tpu.memref_slice %arg19[%dma_start3A_196, %dma_start3A_197] : memref<10240x128xf32, #tpu.memory_space<vmem_shared>> -> memref<10240x128xf32, #tpu.memory_space<vmem_shared>>
        tpu.enqueue_indirect_dma source(%arg7 : memref<128x128xf32, #tpu.memory_space<vmem>>) target(%dma_start3A_198 : memref<10240x128xf32, #tpu.memory_space<vmem_shared>>) offsets(%dma_start3A_195 : memref<128xi32, #tpu.memory_space<vmem>>) semaphore(%run_scoped3A_192 : memref<!tpu.dma_semaphore, #tpu.memory_space<semaphore_mem>>) {add = true}
        %dma_wait3A_199 = arith.constant 0 : i32
        %dma_wait3A_200 = tpu.memref_slice %arg9[%run_scoped3A_129, %dma_wait3A_199] : memref<2x128xi32, #tpu.memory_space<vmem>> -> memref<1x128xi32, #tpu.memory_space<vmem>>
        %dma_wait3A_201 = tpu.memref_squeeze %dma_wait3A_200 : memref<1x128xi32, #tpu.memory_space<vmem>> -> memref<128xi32, #tpu.memory_space<vmem>>
        %dma_wait3A_202 = arith.constant 0 : i32
        %dma_wait3A_203 = arith.constant 0 : i32
        %dma_wait3A_204 = tpu.memref_slice %arg19[%dma_wait3A_202, %dma_wait3A_203] : memref<10240x128xf32, #tpu.memory_space<vmem_shared>> -> memref<10240x128xf32, #tpu.memory_space<vmem_shared>>
        tpu.wait_indirect_dma semaphore(%run_scoped3A_192 : memref<!tpu.dma_semaphore, #tpu.memory_space<semaphore_mem>>) src(%arg7 : memref<128x128xf32, #tpu.memory_space<vmem>>) dst(%dma_wait3A_204 : memref<10240x128xf32, #tpu.memory_space<vmem_shared>>)
        tpu.yield
      }) : () -> ()
      %add3A_130 = arith.constant 4 : i32
      %add3A_131 = arith.addi %add3A_121, %add3A_130 : i32
      %lt3A_132 = arith.constant 78 : i32
      %lt3A_133 = arith.cmpi slt, %add3A_131, %lt3A_132 : i32
      %convert_element_type3A_134 = arith.extui %lt3A_133 : i1 to i32
      %cond3A_135 = arith.constant 0 : i32
      %cond3A_136 = arith.cmpi ne, %convert_element_type3A_134, %cond3A_135 : i32
      scf.if %cond3A_136 {
        %add3A_192 = arith.constant 4 : i32
        %add3A_193 = arith.addi %add3A_121, %add3A_192 : i32
        %mul3A_194 = arith.constant 32 : i32
        %mul3A_195 = arith.muli %mul3A_194, %add3A_193 : i32
        %add3A_196 = arith.addi %add3A, %mul3A_195 : i32
        %mul3A_197 = arith.constant 128 : i32
        %mul3A_198 = arith.muli %add3A_196, %mul3A_197 : i32
        %dma_start3A_199 = arith.constant 0 : i32
        %dma_start3A_200 = tpu.memref_slice %arg3[%dma_start3A_199, %mul3A_198] : memref<2x320000xi32, #tpu.memory_space<hbm>> -> memref<2x128xi32, #tpu.memory_space<hbm>>
        %dma_start3A_201 = arith.constant 0 : i32
        %dma_start3A_202 = tpu.memref_slice %arg3[%dma_start3A_201, %mul3A_198] : memref<2x320000xi32, #tpu.memory_space<hbm>> -> memref<2x128xi32, #tpu.memory_space<hbm>>
        tpu.enqueue_dma source(%dma_start3A_202 : memref<2x128xi32, #tpu.memory_space<hbm>>) target(%arg9 : memref<2x128xi32, #tpu.memory_space<vmem>>) target_semaphore(%arg15 : memref<!tpu.dma_semaphore, #tpu.memory_space<semaphore_mem>>)
      } else {
      }
      %add3A_137 = arith.constant 2 : i32
      %add3A_138 = arith.addi %add3A_121, %add3A_137 : i32
      %lt3A_139 = arith.constant 78 : i32
      %lt3A_140 = arith.cmpi slt, %add3A_138, %lt3A_139 : i32
      %convert_element_type3A_141 = arith.extui %lt3A_140 : i1 to i32
      %cond3A_142 = arith.constant 0 : i32
      %cond3A_143 = arith.cmpi ne, %convert_element_type3A_141, %cond3A_142 : i32
      scf.if %cond3A_143 {
        %dma_wait3A_192 = arith.constant 0 : i32
        %dma_wait3A_193 = arith.constant 0 : i32
        %dma_wait3A_194 = tpu.memref_slice %arg3[%dma_wait3A_192, %dma_wait3A_193] : memref<2x320000xi32, #tpu.memory_space<hbm>> -> memref<2x128xi32, #tpu.memory_space<hbm>>
        %dma_wait3A_195 = arith.constant 0 : i32
        %dma_wait3A_196 = arith.constant 0 : i32
        %dma_wait3A_197 = tpu.memref_slice %arg3[%dma_wait3A_195, %dma_wait3A_196] : memref<2x320000xi32, #tpu.memory_space<hbm>> -> memref<2x128xi32, #tpu.memory_space<hbm>>
        tpu.wait_dma2 semaphore(%arg17 : memref<!tpu.dma_semaphore, #tpu.memory_space<semaphore_mem>>) src(%dma_wait3A_197 : memref<2x128xi32, #tpu.memory_space<hbm>>) dst(%arg11 : memref<2x128xi32, #tpu.memory_space<vmem>>)
        %dma_start3A_198 = arith.constant 0 : i32
        %dma_start3A_199 = arith.constant 0 : i32
        %dma_start3A_200 = tpu.memref_slice %arg11[%dma_start3A_198, %dma_start3A_199] : memref<2x128xi32, #tpu.memory_space<vmem>> -> memref<1x128xi32, #tpu.memory_space<vmem>>
        %dma_start3A_201 = tpu.memref_squeeze %dma_start3A_200 : memref<1x128xi32, #tpu.memory_space<vmem>> -> memref<128xi32, #tpu.memory_space<vmem>>
        %dma_start3A_202 = arith.constant 0 : i32
        %dma_start3A_203 = arith.constant 0 : i32
        %dma_start3A_204 = tpu.memref_slice %arg2[%dma_start3A_202, %dma_start3A_203] : memref<10000x128xf32, #tpu.memory_space<hbm>> -> memref<10000x128xf32, #tpu.memory_space<hbm>>
        tpu.enqueue_indirect_dma source(%dma_start3A_204 : memref<10000x128xf32, #tpu.memory_space<hbm>>) target(%arg7 : memref<128x128xf32, #tpu.memory_space<vmem>>) offsets(%dma_start3A_201 : memref<128xi32, #tpu.memory_space<vmem>>) semaphore(%arg13 : memref<!tpu.dma_semaphore, #tpu.memory_space<semaphore_mem>>)
      } else {
      }
      %add3A_144 = arith.constant 2 : i32
      %add3A_145 = arith.addi %add3A_95, %add3A_144 : i32
      %dma_wait3A_146 = arith.constant 0 : i32
      %dma_wait3A_147 = arith.constant 0 : i32
      %dma_wait3A_148 = tpu.memref_slice %arg10[%dma_wait3A_146, %dma_wait3A_147] : memref<2x128xi32, #tpu.memory_space<vmem>> -> memref<1x128xi32, #tpu.memory_space<vmem>>
      %dma_wait3A_149 = tpu.memref_squeeze %dma_wait3A_148 : memref<1x128xi32, #tpu.memory_space<vmem>> -> memref<128xi32, #tpu.memory_space<vmem>>
      %dma_wait3A_150 = arith.constant 0 : i32
      %dma_wait3A_151 = arith.constant 0 : i32
      %dma_wait3A_152 = tpu.memref_slice %arg2[%dma_wait3A_150, %dma_wait3A_151] : memref<10000x128xf32, #tpu.memory_space<hbm>> -> memref<10000x128xf32, #tpu.memory_space<hbm>>
      tpu.wait_indirect_dma semaphore(%arg12 : memref<!tpu.dma_semaphore, #tpu.memory_space<semaphore_mem>>) src(%dma_wait3A_152 : memref<10000x128xf32, #tpu.memory_space<hbm>>) dst(%arg6 : memref<128x128xf32, #tpu.memory_space<vmem>>)
      %run_scoped3A_153 = arith.constant 1 : i32
      "tpu.region"() ({
        %run_scoped3A_192 = tpu.sem_alloc : memref<!tpu.dma_semaphore, #tpu.memory_space<semaphore_mem>>
        %dma_start3A_193 = arith.constant 0 : i32
        %dma_start3A_194 = tpu.memref_slice %arg10[%run_scoped3A_153, %dma_start3A_193] : memref<2x128xi32, #tpu.memory_space<vmem>> -> memref<1x128xi32, #tpu.memory_space<vmem>>
        %dma_start3A_195 = tpu.memref_squeeze %dma_start3A_194 : memref<1x128xi32, #tpu.memory_space<vmem>> -> memref<128xi32, #tpu.memory_space<vmem>>
        %dma_start3A_196 = arith.constant 0 : i32
        %dma_start3A_197 = arith.constant 0 : i32
        %dma_start3A_198 = tpu.memref_slice %arg19[%dma_start3A_196, %dma_start3A_197] : memref<10240x128xf32, #tpu.memory_space<vmem_shared>> -> memref<10240x128xf32, #tpu.memory_space<vmem_shared>>
        tpu.enqueue_indirect_dma source(%arg6 : memref<128x128xf32, #tpu.memory_space<vmem>>) target(%dma_start3A_198 : memref<10240x128xf32, #tpu.memory_space<vmem_shared>>) offsets(%dma_start3A_195 : memref<128xi32, #tpu.memory_space<vmem>>) semaphore(%run_scoped3A_192 : memref<!tpu.dma_semaphore, #tpu.memory_space<semaphore_mem>>) {add = true}
        %dma_wait3A_199 = arith.constant 0 : i32
        %dma_wait3A_200 = tpu.memref_slice %arg10[%run_scoped3A_153, %dma_wait3A_199] : memref<2x128xi32, #tpu.memory_space<vmem>> -> memref<1x128xi32, #tpu.memory_space<vmem>>
        %dma_wait3A_201 = tpu.memref_squeeze %dma_wait3A_200 : memref<1x128xi32, #tpu.memory_space<vmem>> -> memref<128xi32, #tpu.memory_space<vmem>>
        %dma_wait3A_202 = arith.constant 0 : i32
        %dma_wait3A_203 = arith.constant 0 : i32
        %dma_wait3A_204 = tpu.memref_slice %arg19[%dma_wait3A_202, %dma_wait3A_203] : memref<10240x128xf32, #tpu.memory_space<vmem_shared>> -> memref<10240x128xf32, #tpu.memory_space<vmem_shared>>
        tpu.wait_indirect_dma semaphore(%run_scoped3A_192 : memref<!tpu.dma_semaphore, #tpu.memory_space<semaphore_mem>>) src(%arg6 : memref<128x128xf32, #tpu.memory_space<vmem>>) dst(%dma_wait3A_204 : memref<10240x128xf32, #tpu.memory_space<vmem_shared>>)
        tpu.yield
      }) : () -> ()
      %add3A_154 = arith.constant 4 : i32
      %add3A_155 = arith.addi %add3A_145, %add3A_154 : i32
      %lt3A_156 = arith.constant 78 : i32
      %lt3A_157 = arith.cmpi slt, %add3A_155, %lt3A_156 : i32
      %convert_element_type3A_158 = arith.extui %lt3A_157 : i1 to i32
      %cond3A_159 = arith.constant 0 : i32
      %cond3A_160 = arith.cmpi ne, %convert_element_type3A_158, %cond3A_159 : i32
      scf.if %cond3A_160 {
        %add3A_192 = arith.constant 4 : i32
        %add3A_193 = arith.addi %add3A_145, %add3A_192 : i32
        %mul3A_194 = arith.constant 32 : i32
        %mul3A_195 = arith.muli %mul3A_194, %add3A_193 : i32
        %add3A_196 = arith.addi %add3A, %mul3A_195 : i32
        %mul3A_197 = arith.constant 128 : i32
        %mul3A_198 = arith.muli %add3A_196, %mul3A_197 : i32
        %dma_start3A_199 = arith.constant 0 : i32
        %dma_start3A_200 = tpu.memref_slice %arg3[%dma_start3A_199, %mul3A_198] : memref<2x320000xi32, #tpu.memory_space<hbm>> -> memref<2x128xi32, #tpu.memory_space<hbm>>
        %dma_start3A_201 = arith.constant 0 : i32
        %dma_start3A_202 = tpu.memref_slice %arg3[%dma_start3A_201, %mul3A_198] : memref<2x320000xi32, #tpu.memory_space<hbm>> -> memref<2x128xi32, #tpu.memory_space<hbm>>
        tpu.enqueue_dma source(%dma_start3A_202 : memref<2x128xi32, #tpu.memory_space<hbm>>) target(%arg10 : memref<2x128xi32, #tpu.memory_space<vmem>>) target_semaphore(%arg16 : memref<!tpu.dma_semaphore, #tpu.memory_space<semaphore_mem>>)
      } else {
      }
      %add3A_161 = arith.constant 2 : i32
      %add3A_162 = arith.addi %add3A_145, %add3A_161 : i32
      %lt3A_163 = arith.constant 78 : i32
      %lt3A_164 = arith.cmpi slt, %add3A_162, %lt3A_163 : i32
      %convert_element_type3A_165 = arith.extui %lt3A_164 : i1 to i32
      %cond3A_166 = arith.constant 0 : i32
      %cond3A_167 = arith.cmpi ne, %convert_element_type3A_165, %cond3A_166 : i32
      scf.if %cond3A_167 {
        %dma_wait3A_192 = arith.constant 0 : i32
        %dma_wait3A_193 = arith.constant 0 : i32
        %dma_wait3A_194 = tpu.memref_slice %arg3[%dma_wait3A_192, %dma_wait3A_193] : memref<2x320000xi32, #tpu.memory_space<hbm>> -> memref<2x128xi32, #tpu.memory_space<hbm>>
        %dma_wait3A_195 = arith.constant 0 : i32
        %dma_wait3A_196 = arith.constant 0 : i32
        %dma_wait3A_197 = tpu.memref_slice %arg3[%dma_wait3A_195, %dma_wait3A_196] : memref<2x320000xi32, #tpu.memory_space<hbm>> -> memref<2x128xi32, #tpu.memory_space<hbm>>
        tpu.wait_dma2 semaphore(%arg14 : memref<!tpu.dma_semaphore, #tpu.memory_space<semaphore_mem>>) src(%dma_wait3A_197 : memref<2x128xi32, #tpu.memory_space<hbm>>) dst(%arg8 : memref<2x128xi32, #tpu.memory_space<vmem>>)
        %dma_start3A_198 = arith.constant 0 : i32
        %dma_start3A_199 = arith.constant 0 : i32
        %dma_start3A_200 = tpu.memref_slice %arg8[%dma_start3A_198, %dma_start3A_199] : memref<2x128xi32, #tpu.memory_space<vmem>> -> memref<1x128xi32, #tpu.memory_space<vmem>>
        %dma_start3A_201 = tpu.memref_squeeze %dma_start3A_200 : memref<1x128xi32, #tpu.memory_space<vmem>> -> memref<128xi32, #tpu.memory_space<vmem>>
        %dma_start3A_202 = arith.constant 0 : i32
        %dma_start3A_203 = arith.constant 0 : i32
        %dma_start3A_204 = tpu.memref_slice %arg2[%dma_start3A_202, %dma_start3A_203] : memref<10000x128xf32, #tpu.memory_space<hbm>> -> memref<10000x128xf32, #tpu.memory_space<hbm>>
        tpu.enqueue_indirect_dma source(%dma_start3A_204 : memref<10000x128xf32, #tpu.memory_space<hbm>>) target(%arg6 : memref<128x128xf32, #tpu.memory_space<vmem>>) offsets(%dma_start3A_201 : memref<128xi32, #tpu.memory_space<vmem>>) semaphore(%arg12 : memref<!tpu.dma_semaphore, #tpu.memory_space<semaphore_mem>>)
      } else {
      }
      %add3A_168 = arith.constant 3 : i32
      %add3A_169 = arith.addi %add3A_95, %add3A_168 : i32
      %dma_wait3A_170 = arith.constant 0 : i32
      %dma_wait3A_171 = arith.constant 0 : i32
      %dma_wait3A_172 = tpu.memref_slice %arg11[%dma_wait3A_170, %dma_wait3A_171] : memref<2x128xi32, #tpu.memory_space<vmem>> -> memref<1x128xi32, #tpu.memory_space<vmem>>
      %dma_wait3A_173 = tpu.memref_squeeze %dma_wait3A_172 : memref<1x128xi32, #tpu.memory_space<vmem>> -> memref<128xi32, #tpu.memory_space<vmem>>
      %dma_wait3A_174 = arith.constant 0 : i32
      %dma_wait3A_175 = arith.constant 0 : i32
      %dma_wait3A_176 = tpu.memref_slice %arg2[%dma_wait3A_174, %dma_wait3A_175] : memref<10000x128xf32, #tpu.memory_space<hbm>> -> memref<10000x128xf32, #tpu.memory_space<hbm>>
      tpu.wait_indirect_dma semaphore(%arg13 : memref<!tpu.dma_semaphore, #tpu.memory_space<semaphore_mem>>) src(%dma_wait3A_176 : memref<10000x128xf32, #tpu.memory_space<hbm>>) dst(%arg7 : memref<128x128xf32, #tpu.memory_space<vmem>>)
      %run_scoped3A_177 = arith.constant 1 : i32
      "tpu.region"() ({
        %run_scoped3A_192 = tpu.sem_alloc : memref<!tpu.dma_semaphore, #tpu.memory_space<semaphore_mem>>
        %dma_start3A_193 = arith.constant 0 : i32
        %dma_start3A_194 = tpu.memref_slice %arg11[%run_scoped3A_177, %dma_start3A_193] : memref<2x128xi32, #tpu.memory_space<vmem>> -> memref<1x128xi32, #tpu.memory_space<vmem>>
        %dma_start3A_195 = tpu.memref_squeeze %dma_start3A_194 : memref<1x128xi32, #tpu.memory_space<vmem>> -> memref<128xi32, #tpu.memory_space<vmem>>
        %dma_start3A_196 = arith.constant 0 : i32
        %dma_start3A_197 = arith.constant 0 : i32
        %dma_start3A_198 = tpu.memref_slice %arg19[%dma_start3A_196, %dma_start3A_197] : memref<10240x128xf32, #tpu.memory_space<vmem_shared>> -> memref<10240x128xf32, #tpu.memory_space<vmem_shared>>
        tpu.enqueue_indirect_dma source(%arg7 : memref<128x128xf32, #tpu.memory_space<vmem>>) target(%dma_start3A_198 : memref<10240x128xf32, #tpu.memory_space<vmem_shared>>) offsets(%dma_start3A_195 : memref<128xi32, #tpu.memory_space<vmem>>) semaphore(%run_scoped3A_192 : memref<!tpu.dma_semaphore, #tpu.memory_space<semaphore_mem>>) {add = true}
        %dma_wait3A_199 = arith.constant 0 : i32
        %dma_wait3A_200 = tpu.memref_slice %arg11[%run_scoped3A_177, %dma_wait3A_199] : memref<2x128xi32, #tpu.memory_space<vmem>> -> memref<1x128xi32, #tpu.memory_space<vmem>>
        %dma_wait3A_201 = tpu.memref_squeeze %dma_wait3A_200 : memref<1x128xi32, #tpu.memory_space<vmem>> -> memref<128xi32, #tpu.memory_space<vmem>>
        %dma_wait3A_202 = arith.constant 0 : i32
        %dma_wait3A_203 = arith.constant 0 : i32
        %dma_wait3A_204 = tpu.memref_slice %arg19[%dma_wait3A_202, %dma_wait3A_203] : memref<10240x128xf32, #tpu.memory_space<vmem_shared>> -> memref<10240x128xf32, #tpu.memory_space<vmem_shared>>
        tpu.wait_indirect_dma semaphore(%run_scoped3A_192 : memref<!tpu.dma_semaphore, #tpu.memory_space<semaphore_mem>>) src(%arg7 : memref<128x128xf32, #tpu.memory_space<vmem>>) dst(%dma_wait3A_204 : memref<10240x128xf32, #tpu.memory_space<vmem_shared>>)
        tpu.yield
      }) : () -> ()
      %add3A_178 = arith.constant 4 : i32
      %add3A_179 = arith.addi %add3A_169, %add3A_178 : i32
      %lt3A_180 = arith.constant 78 : i32
      %lt3A_181 = arith.cmpi slt, %add3A_179, %lt3A_180 : i32
      %convert_element_type3A_182 = arith.extui %lt3A_181 : i1 to i32
      %cond3A_183 = arith.constant 0 : i32
      %cond3A_184 = arith.cmpi ne, %convert_element_type3A_182, %cond3A_183 : i32
      scf.if %cond3A_184 {
        %add3A_192 = arith.constant 4 : i32
        %add3A_193 = arith.addi %add3A_169, %add3A_192 : i32
        %mul3A_194 = arith.constant 32 : i32
        %mul3A_195 = arith.muli %mul3A_194, %add3A_193 : i32
        %add3A_196 = arith.addi %add3A, %mul3A_195 : i32
        %mul3A_197 = arith.constant 128 : i32
        %mul3A_198 = arith.muli %add3A_196, %mul3A_197 : i32
        %dma_start3A_199 = arith.constant 0 : i32
        %dma_start3A_200 = tpu.memref_slice %arg3[%dma_start3A_199, %mul3A_198] : memref<2x320000xi32, #tpu.memory_space<hbm>> -> memref<2x128xi32, #tpu.memory_space<hbm>>
        %dma_start3A_201 = arith.constant 0 : i32
        %dma_start3A_202 = tpu.memref_slice %arg3[%dma_start3A_201, %mul3A_198] : memref<2x320000xi32, #tpu.memory_space<hbm>> -> memref<2x128xi32, #tpu.memory_space<hbm>>
        tpu.enqueue_dma source(%dma_start3A_202 : memref<2x128xi32, #tpu.memory_space<hbm>>) target(%arg11 : memref<2x128xi32, #tpu.memory_space<vmem>>) target_semaphore(%arg17 : memref<!tpu.dma_semaphore, #tpu.memory_space<semaphore_mem>>)
      } else {
      }
      %add3A_185 = arith.constant 2 : i32
      %add3A_186 = arith.addi %add3A_169, %add3A_185 : i32
      %lt3A_187 = arith.constant 78 : i32
      %lt3A_188 = arith.cmpi slt, %add3A_186, %lt3A_187 : i32
      %convert_element_type3A_189 = arith.extui %lt3A_188 : i1 to i32
      %cond3A_190 = arith.constant 0 : i32
      %cond3A_191 = arith.cmpi ne, %convert_element_type3A_189, %cond3A_190 : i32
      scf.if %cond3A_191 {
        %dma_wait3A_192 = arith.constant 0 : i32
        %dma_wait3A_193 = arith.constant 0 : i32
        %dma_wait3A_194 = tpu.memref_slice %arg3[%dma_wait3A_192, %dma_wait3A_193] : memref<2x320000xi32, #tpu.memory_space<hbm>> -> memref<2x128xi32, #tpu.memory_space<hbm>>
        %dma_wait3A_195 = arith.constant 0 : i32
        %dma_wait3A_196 = arith.constant 0 : i32
        %dma_wait3A_197 = tpu.memref_slice %arg3[%dma_wait3A_195, %dma_wait3A_196] : memref<2x320000xi32, #tpu.memory_space<hbm>> -> memref<2x128xi32, #tpu.memory_space<hbm>>
        tpu.wait_dma2 semaphore(%arg15 : memref<!tpu.dma_semaphore, #tpu.memory_space<semaphore_mem>>) src(%dma_wait3A_197 : memref<2x128xi32, #tpu.memory_space<hbm>>) dst(%arg9 : memref<2x128xi32, #tpu.memory_space<vmem>>)
        %dma_start3A_198 = arith.constant 0 : i32
        %dma_start3A_199 = arith.constant 0 : i32
        %dma_start3A_200 = tpu.memref_slice %arg9[%dma_start3A_198, %dma_start3A_199] : memref<2x128xi32, #tpu.memory_space<vmem>> -> memref<1x128xi32, #tpu.memory_space<vmem>>
        %dma_start3A_201 = tpu.memref_squeeze %dma_start3A_200 : memref<1x128xi32, #tpu.memory_space<vmem>> -> memref<128xi32, #tpu.memory_space<vmem>>
        %dma_start3A_202 = arith.constant 0 : i32
        %dma_start3A_203 = arith.constant 0 : i32
        %dma_start3A_204 = tpu.memref_slice %arg2[%dma_start3A_202, %dma_start3A_203] : memref<10000x128xf32, #tpu.memory_space<hbm>> -> memref<10000x128xf32, #tpu.memory_space<hbm>>
        tpu.enqueue_indirect_dma source(%dma_start3A_204 : memref<10000x128xf32, #tpu.memory_space<hbm>>) target(%arg7 : memref<128x128xf32, #tpu.memory_space<vmem>>) offsets(%dma_start3A_201 : memref<128xi32, #tpu.memory_space<vmem>>) semaphore(%arg13 : memref<!tpu.dma_semaphore, #tpu.memory_space<semaphore_mem>>)
      } else {
      }
    }
    %scan3A_68 = arith.constant 19 : i32
    %dma_wait3A_69 = arith.constant 0 : i32
    %dma_wait3A_70 = arith.constant 0 : i32
    %dma_wait3A_71 = tpu.memref_slice %arg8[%dma_wait3A_69, %dma_wait3A_70] : memref<2x128xi32, #tpu.memory_space<vmem>> -> memref<1x128xi32, #tpu.memory_space<vmem>>
    %dma_wait3A_72 = tpu.memref_squeeze %dma_wait3A_71 : memref<1x128xi32, #tpu.memory_space<vmem>> -> memref<128xi32, #tpu.memory_space<vmem>>
    %dma_wait3A_73 = arith.constant 0 : i32
    %dma_wait3A_74 = arith.constant 0 : i32
    %dma_wait3A_75 = tpu.memref_slice %arg2[%dma_wait3A_73, %dma_wait3A_74] : memref<10000x128xf32, #tpu.memory_space<hbm>> -> memref<10000x128xf32, #tpu.memory_space<hbm>>
    tpu.wait_indirect_dma semaphore(%arg12 : memref<!tpu.dma_semaphore, #tpu.memory_space<semaphore_mem>>) src(%dma_wait3A_75 : memref<10000x128xf32, #tpu.memory_space<hbm>>) dst(%arg6 : memref<128x128xf32, #tpu.memory_space<vmem>>)
    %run_scoped3A = arith.constant 1 : i32
    "tpu.region"() ({
      %run_scoped3A_91 = tpu.sem_alloc : memref<!tpu.dma_semaphore, #tpu.memory_space<semaphore_mem>>
      %dma_start3A_92 = arith.constant 0 : i32
      %dma_start3A_93 = tpu.memref_slice %arg8[%run_scoped3A, %dma_start3A_92] : memref<2x128xi32, #tpu.memory_space<vmem>> -> memref<1x128xi32, #tpu.memory_space<vmem>>
      %dma_start3A_94 = tpu.memref_squeeze %dma_start3A_93 : memref<1x128xi32, #tpu.memory_space<vmem>> -> memref<128xi32, #tpu.memory_space<vmem>>
      %dma_start3A_95 = arith.constant 0 : i32
      %dma_start3A_96 = arith.constant 0 : i32
      %dma_start3A_97 = tpu.memref_slice %arg19[%dma_start3A_95, %dma_start3A_96] : memref<10240x128xf32, #tpu.memory_space<vmem_shared>> -> memref<10240x128xf32, #tpu.memory_space<vmem_shared>>
      tpu.enqueue_indirect_dma source(%arg6 : memref<128x128xf32, #tpu.memory_space<vmem>>) target(%dma_start3A_97 : memref<10240x128xf32, #tpu.memory_space<vmem_shared>>) offsets(%dma_start3A_94 : memref<128xi32, #tpu.memory_space<vmem>>) semaphore(%run_scoped3A_91 : memref<!tpu.dma_semaphore, #tpu.memory_space<semaphore_mem>>) {add = true}
      %dma_wait3A_98 = arith.constant 0 : i32
      %dma_wait3A_99 = tpu.memref_slice %arg8[%run_scoped3A, %dma_wait3A_98] : memref<2x128xi32, #tpu.memory_space<vmem>> -> memref<1x128xi32, #tpu.memory_space<vmem>>
      %dma_wait3A_100 = tpu.memref_squeeze %dma_wait3A_99 : memref<1x128xi32, #tpu.memory_space<vmem>> -> memref<128xi32, #tpu.memory_space<vmem>>
      %dma_wait3A_101 = arith.constant 0 : i32
      %dma_wait3A_102 = arith.constant 0 : i32
      %dma_wait3A_103 = tpu.memref_slice %arg19[%dma_wait3A_101, %dma_wait3A_102] : memref<10240x128xf32, #tpu.memory_space<vmem_shared>> -> memref<10240x128xf32, #tpu.memory_space<vmem_shared>>
      tpu.wait_indirect_dma semaphore(%run_scoped3A_91 : memref<!tpu.dma_semaphore, #tpu.memory_space<semaphore_mem>>) src(%arg6 : memref<128x128xf32, #tpu.memory_space<vmem>>) dst(%dma_wait3A_103 : memref<10240x128xf32, #tpu.memory_space<vmem_shared>>)
      tpu.yield
    }) : () -> ()
    %dma_wait3A_76 = arith.constant 0 : i32
    %dma_wait3A_77 = arith.constant 0 : i32
    %dma_wait3A_78 = tpu.memref_slice %arg9[%dma_wait3A_76, %dma_wait3A_77] : memref<2x128xi32, #tpu.memory_space<vmem>> -> memref<1x128xi32, #tpu.memory_space<vmem>>
    %dma_wait3A_79 = tpu.memref_squeeze %dma_wait3A_78 : memref<1x128xi32, #tpu.memory_space<vmem>> -> memref<128xi32, #tpu.memory_space<vmem>>
    %dma_wait3A_80 = arith.constant 0 : i32
    %dma_wait3A_81 = arith.constant 0 : i32
    %dma_wait3A_82 = tpu.memref_slice %arg2[%dma_wait3A_80, %dma_wait3A_81] : memref<10000x128xf32, #tpu.memory_space<hbm>> -> memref<10000x128xf32, #tpu.memory_space<hbm>>
    tpu.wait_indirect_dma semaphore(%arg13 : memref<!tpu.dma_semaphore, #tpu.memory_space<semaphore_mem>>) src(%dma_wait3A_82 : memref<10000x128xf32, #tpu.memory_space<hbm>>) dst(%arg7 : memref<128x128xf32, #tpu.memory_space<vmem>>)
    %run_scoped3A_83 = arith.constant 1 : i32
    "tpu.region"() ({
      %run_scoped3A_91 = tpu.sem_alloc : memref<!tpu.dma_semaphore, #tpu.memory_space<semaphore_mem>>
      %dma_start3A_92 = arith.constant 0 : i32
      %dma_start3A_93 = tpu.memref_slice %arg9[%run_scoped3A_83, %dma_start3A_92] : memref<2x128xi32, #tpu.memory_space<vmem>> -> memref<1x128xi32, #tpu.memory_space<vmem>>
      %dma_start3A_94 = tpu.memref_squeeze %dma_start3A_93 : memref<1x128xi32, #tpu.memory_space<vmem>> -> memref<128xi32, #tpu.memory_space<vmem>>
      %dma_start3A_95 = arith.constant 0 : i32
      %dma_start3A_96 = arith.constant 0 : i32
      %dma_start3A_97 = tpu.memref_slice %arg19[%dma_start3A_95, %dma_start3A_96] : memref<10240x128xf32, #tpu.memory_space<vmem_shared>> -> memref<10240x128xf32, #tpu.memory_space<vmem_shared>>
      tpu.enqueue_indirect_dma source(%arg7 : memref<128x128xf32, #tpu.memory_space<vmem>>) target(%dma_start3A_97 : memref<10240x128xf32, #tpu.memory_space<vmem_shared>>) offsets(%dma_start3A_94 : memref<128xi32, #tpu.memory_space<vmem>>) semaphore(%run_scoped3A_91 : memref<!tpu.dma_semaphore, #tpu.memory_space<semaphore_mem>>) {add = true}
      %dma_wait3A_98 = arith.constant 0 : i32
      %dma_wait3A_99 = tpu.memref_slice %arg9[%run_scoped3A_83, %dma_wait3A_98] : memref<2x128xi32, #tpu.memory_space<vmem>> -> memref<1x128xi32, #tpu.memory_space<vmem>>
      %dma_wait3A_100 = tpu.memref_squeeze %dma_wait3A_99 : memref<1x128xi32, #tpu.memory_space<vmem>> -> memref<128xi32, #tpu.memory_space<vmem>>
      %dma_wait3A_101 = arith.constant 0 : i32
      %dma_wait3A_102 = arith.constant 0 : i32
      %dma_wait3A_103 = tpu.memref_slice %arg19[%dma_wait3A_101, %dma_wait3A_102] : memref<10240x128xf32, #tpu.memory_space<vmem_shared>> -> memref<10240x128xf32, #tpu.memory_space<vmem_shared>>
      tpu.wait_indirect_dma semaphore(%run_scoped3A_91 : memref<!tpu.dma_semaphore, #tpu.memory_space<semaphore_mem>>) src(%arg7 : memref<128x128xf32, #tpu.memory_space<vmem>>) dst(%dma_wait3A_103 : memref<10240x128xf32, #tpu.memory_space<vmem_shared>>)
      tpu.yield
    }) : () -> ()
    %lt3A = arith.constant 4 : i32
    %lt3A_84 = arith.cmpi slt, %add3A, %lt3A : i32
    %convert_element_type3A = arith.extui %lt3A_84 : i1 to i32
    %cond3A = arith.constant 0 : i32
    %cond3A_85 = arith.cmpi ne, %convert_element_type3A, %cond3A : i32
    scf.if %cond3A_85 {
      %add3A_91 = arith.constant 2496 : i32
      %add3A_92 = arith.addi %add3A_91, %add3A : i32
      %mul3A_93 = arith.constant 128 : i32
      %mul3A_94 = arith.muli %add3A_92, %mul3A_93 : i32
      "tpu.region"() ({
        %run_scoped3A_110 = tpu.sem_alloc : memref<!tpu.dma_semaphore, #tpu.memory_space<semaphore_mem>>
        %dma_start3A_111 = arith.constant 0 : i32
        %dma_start3A_112 = tpu.memref_slice %arg3[%dma_start3A_111, %mul3A_94] : memref<2x320000xi32, #tpu.memory_space<hbm>> -> memref<2x128xi32, #tpu.memory_space<hbm>>
        %dma_start3A_113 = arith.constant 0 : i32
        %dma_start3A_114 = tpu.memref_slice %arg3[%dma_start3A_113, %mul3A_94] : memref<2x320000xi32, #tpu.memory_space<hbm>> -> memref<2x128xi32, #tpu.memory_space<hbm>>
        tpu.enqueue_dma source(%dma_start3A_114 : memref<2x128xi32, #tpu.memory_space<hbm>>) target(%arg8 : memref<2x128xi32, #tpu.memory_space<vmem>>) target_semaphore(%run_scoped3A_110 : memref<!tpu.dma_semaphore, #tpu.memory_space<semaphore_mem>>)
        %dma_wait3A_115 = arith.constant 0 : i32
        %dma_wait3A_116 = tpu.memref_slice %arg3[%dma_wait3A_115, %mul3A_94] : memref<2x320000xi32, #tpu.memory_space<hbm>> -> memref<2x128xi32, #tpu.memory_space<hbm>>
        %dma_wait3A_117 = arith.constant 0 : i32
        %dma_wait3A_118 = tpu.memref_slice %arg3[%dma_wait3A_117, %mul3A_94] : memref<2x320000xi32, #tpu.memory_space<hbm>> -> memref<2x128xi32, #tpu.memory_space<hbm>>
        tpu.wait_dma2 semaphore(%run_scoped3A_110 : memref<!tpu.dma_semaphore, #tpu.memory_space<semaphore_mem>>) src(%dma_wait3A_118 : memref<2x128xi32, #tpu.memory_space<hbm>>) dst(%arg8 : memref<2x128xi32, #tpu.memory_space<vmem>>)
        tpu.yield
      }) : () -> ()
      %dma_start3A_95 = arith.constant 0 : i32
      %dma_start3A_96 = arith.constant 0 : i32
      %dma_start3A_97 = tpu.memref_slice %arg8[%dma_start3A_95, %dma_start3A_96] : memref<2x128xi32, #tpu.memory_space<vmem>> -> memref<1x128xi32, #tpu.memory_space<vmem>>
      %dma_start3A_98 = tpu.memref_squeeze %dma_start3A_97 : memref<1x128xi32, #tpu.memory_space<vmem>> -> memref<128xi32, #tpu.memory_space<vmem>>
      %dma_start3A_99 = arith.constant 0 : i32
      %dma_start3A_100 = arith.constant 0 : i32
      %dma_start3A_101 = tpu.memref_slice %arg2[%dma_start3A_99, %dma_start3A_100] : memref<10000x128xf32, #tpu.memory_space<hbm>> -> memref<10000x128xf32, #tpu.memory_space<hbm>>
      tpu.enqueue_indirect_dma source(%dma_start3A_101 : memref<10000x128xf32, #tpu.memory_space<hbm>>) target(%arg6 : memref<128x128xf32, #tpu.memory_space<vmem>>) offsets(%dma_start3A_98 : memref<128xi32, #tpu.memory_space<vmem>>) semaphore(%arg12 : memref<!tpu.dma_semaphore, #tpu.memory_space<semaphore_mem>>)
      %dma_wait3A_102 = arith.constant 0 : i32
      %dma_wait3A_103 = arith.constant 0 : i32
      %dma_wait3A_104 = tpu.memref_slice %arg8[%dma_wait3A_102, %dma_wait3A_103] : memref<2x128xi32, #tpu.memory_space<vmem>> -> memref<1x128xi32, #tpu.memory_space<vmem>>
      %dma_wait3A_105 = tpu.memref_squeeze %dma_wait3A_104 : memref<1x128xi32, #tpu.memory_space<vmem>> -> memref<128xi32, #tpu.memory_space<vmem>>
      %dma_wait3A_106 = arith.constant 0 : i32
      %dma_wait3A_107 = arith.constant 0 : i32
      %dma_wait3A_108 = tpu.memref_slice %arg2[%dma_wait3A_106, %dma_wait3A_107] : memref<10000x128xf32, #tpu.memory_space<hbm>> -> memref<10000x128xf32, #tpu.memory_space<hbm>>
      tpu.wait_indirect_dma semaphore(%arg12 : memref<!tpu.dma_semaphore, #tpu.memory_space<semaphore_mem>>) src(%dma_wait3A_108 : memref<10000x128xf32, #tpu.memory_space<hbm>>) dst(%arg6 : memref<128x128xf32, #tpu.memory_space<vmem>>)
      %run_scoped3A_109 = arith.constant 1 : i32
      "tpu.region"() ({
        %run_scoped3A_110 = tpu.sem_alloc : memref<!tpu.dma_semaphore, #tpu.memory_space<semaphore_mem>>
        %dma_start3A_111 = arith.constant 0 : i32
        %dma_start3A_112 = tpu.memref_slice %arg8[%run_scoped3A_109, %dma_start3A_111] : memref<2x128xi32, #tpu.memory_space<vmem>> -> memref<1x128xi32, #tpu.memory_space<vmem>>
        %dma_start3A_113 = tpu.memref_squeeze %dma_start3A_112 : memref<1x128xi32, #tpu.memory_space<vmem>> -> memref<128xi32, #tpu.memory_space<vmem>>
        %dma_start3A_114 = arith.constant 0 : i32
        %dma_start3A_115 = arith.constant 0 : i32
        %dma_start3A_116 = tpu.memref_slice %arg19[%dma_start3A_114, %dma_start3A_115] : memref<10240x128xf32, #tpu.memory_space<vmem_shared>> -> memref<10240x128xf32, #tpu.memory_space<vmem_shared>>
        tpu.enqueue_indirect_dma source(%arg6 : memref<128x128xf32, #tpu.memory_space<vmem>>) target(%dma_start3A_116 : memref<10240x128xf32, #tpu.memory_space<vmem_shared>>) offsets(%dma_start3A_113 : memref<128xi32, #tpu.memory_space<vmem>>) semaphore(%run_scoped3A_110 : memref<!tpu.dma_semaphore, #tpu.memory_space<semaphore_mem>>) {add = true}
        %dma_wait3A_117 = arith.constant 0 : i32
        %dma_wait3A_118 = tpu.memref_slice %arg8[%run_scoped3A_109, %dma_wait3A_117] : memref<2x128xi32, #tpu.memory_space<vmem>> -> memref<1x128xi32, #tpu.memory_space<vmem>>
        %dma_wait3A_119 = tpu.memref_squeeze %dma_wait3A_118 : memref<1x128xi32, #tpu.memory_space<vmem>> -> memref<128xi32, #tpu.memory_space<vmem>>
        %dma_wait3A_120 = arith.constant 0 : i32
        %dma_wait3A_121 = arith.constant 0 : i32
        %dma_wait3A_122 = tpu.memref_slice %arg19[%dma_wait3A_120, %dma_wait3A_121] : memref<10240x128xf32, #tpu.memory_space<vmem_shared>> -> memref<10240x128xf32, #tpu.memory_space<vmem_shared>>
        tpu.wait_indirect_dma semaphore(%run_scoped3A_110 : memref<!tpu.dma_semaphore, #tpu.memory_space<semaphore_mem>>) src(%arg6 : memref<128x128xf32, #tpu.memory_space<vmem>>) dst(%dma_wait3A_122 : memref<10240x128xf32, #tpu.memory_space<vmem_shared>>)
        tpu.yield
      }) : () -> ()
    } else {
    }
    %barrier3A_86 = arith.constant 0 : index
    tpu.barrier barrier_id(%barrier3A_86)
    %mul3A_87 = arith.constant 640 : i32
    %mul3A_88 = arith.muli %arg1, %mul3A_87 : i32
    %mul3A_89 = arith.constant 640 : i32
    %mul3A_90 = arith.muli %arg1, %mul3A_89 : i32
    "tpu.region"() ({
      %run_scoped3A_91 = tpu.sem_alloc : memref<!tpu.dma_semaphore, #tpu.memory_space<semaphore_mem>>
      %dma_start3A_92 = arith.constant 0 : i32
      %dma_start3A_93 = tpu.memref_slice %arg5[%arg0, %mul3A_90, %dma_start3A_92] : memref<2x10240x128xf32, #tpu.memory_space<hbm>> -> memref<1x640x128xf32, #tpu.memory_space<hbm>>
      %dma_start3A_94 = tpu.memref_squeeze %dma_start3A_93 : memref<1x640x128xf32, #tpu.memory_space<hbm>> -> memref<640x128xf32, #tpu.memory_space<hbm>>
      %dma_start3A_95 = arith.constant 0 : i32
      %dma_start3A_96 = tpu.memref_slice %arg19[%mul3A_88, %dma_start3A_95] : memref<10240x128xf32, #tpu.memory_space<vmem_shared>> -> memref<640x128xf32, #tpu.memory_space<vmem_shared>>
      tpu.enqueue_dma source(%dma_start3A_96 : memref<640x128xf32, #tpu.memory_space<vmem_shared>>) target(%dma_start3A_94 : memref<640x128xf32, #tpu.memory_space<hbm>>) target_semaphore(%run_scoped3A_91 : memref<!tpu.dma_semaphore, #tpu.memory_space<semaphore_mem>>)
      %dma_wait3A_97 = arith.constant 0 : i32
      %dma_wait3A_98 = tpu.memref_slice %arg5[%arg0, %mul3A_90, %dma_wait3A_97] : memref<2x10240x128xf32, #tpu.memory_space<hbm>> -> memref<1x640x128xf32, #tpu.memory_space<hbm>>
      %dma_wait3A_99 = tpu.memref_squeeze %dma_wait3A_98 : memref<1x640x128xf32, #tpu.memory_space<hbm>> -> memref<640x128xf32, #tpu.memory_space<hbm>>
      %dma_wait3A_100 = arith.constant 0 : i32
      %dma_wait3A_101 = tpu.memref_slice %arg19[%mul3A_88, %dma_wait3A_100] : memref<10240x128xf32, #tpu.memory_space<vmem_shared>> -> memref<640x128xf32, #tpu.memory_space<vmem_shared>>
      tpu.wait_dma2 semaphore(%run_scoped3A_91 : memref<!tpu.dma_semaphore, #tpu.memory_space<semaphore_mem>>) src(%dma_wait3A_101 : memref<640x128xf32, #tpu.memory_space<vmem_shared>>) dst(%dma_wait3A_99 : memref<640x128xf32, #tpu.memory_space<hbm>>)
      tpu.yield
    }) : () -> ()
    return
  }
}

module attributes {stable_mosaic.version = 14 : i64} {
  func.func @_tc_combine_body(%arg0: i32, %arg1: memref<2000x128xf32, #tpu.memory_space<vmem>>, %arg2: memref<2x2000x128xf32, #tpu.memory_space<vmem>>, %arg3: memref<128x128xf32, #tpu.memory_space<vmem>>, %arg4: memref<128x128xf32, #tpu.memory_space<vmem>>, %arg5: memref<1x128xf32, #tpu.memory_space<vmem>>, %arg6: memref<2000x128xf32, #tpu.memory_space<vmem>>) attributes {dimension_semantics = [#tpu.dimension_semantics<arbitrary>], iteration_bounds = array<i64: 5>, scalar_prefetch = 0 : i64, scratch_operands = 0 : i64, tpu.core_type = #tpu.core_type<tc>, window_params = [{transform_indices = @transform_0, window_bounds = array<i64: 2000, 128>}, {transform_indices = @transform_1, window_bounds = array<i64: 2, 2000, 128>}, {pipeline_mode = #tpu.pipeline_mode<synchronous>, transform_indices = @transform_2, window_bounds = array<i64: 128, 128>}, {pipeline_mode = #tpu.pipeline_mode<synchronous>, transform_indices = @transform_3, window_bounds = array<i64: 128, 128>}, {pipeline_mode = #tpu.pipeline_mode<synchronous>, transform_indices = @transform_4, window_bounds = array<i64: 1, 128>}, {transform_indices = @transform_5, window_bounds = array<i64: 2000, 128>}]} {
    %get3A = arith.constant 0 : index
    %get3A_0 = arith.constant 0 : index
    %get3A_1 = arith.constant 0 : index
    %get3A_2 = vector.load %arg2[%get3A, %get3A_0, %get3A_1] : memref<2x2000x128xf32, #tpu.memory_space<vmem>>, vector<1x2000x128xf32>
    %get3A_3 = vector.shape_cast %get3A_2 : vector<1x2000x128xf32> to vector<2000x128xf32>
    %get3A_4 = arith.constant 1 : index
    %get3A_5 = arith.constant 0 : index
    %get3A_6 = arith.constant 0 : index
    %get3A_7 = vector.load %arg2[%get3A_4, %get3A_5, %get3A_6] : memref<2x2000x128xf32, #tpu.memory_space<vmem>>, vector<1x2000x128xf32>
    %get3A_8 = vector.shape_cast %get3A_7 : vector<1x2000x128xf32> to vector<2000x128xf32>
    %add3A = arith.addf %get3A_3, %get3A_8 : vector<2000x128xf32>
    %get3A_9 = arith.constant 0 : index
    %get3A_10 = arith.constant 0 : index
    %get3A_11 = vector.load %arg1[%get3A_9, %get3A_10] : memref<2000x128xf32, #tpu.memory_space<vmem>>, vector<2000x128xf32>
    %get3A_12 = arith.constant 0 : index
    %get3A_13 = arith.constant 0 : index
    %get3A_14 = vector.load %arg4[%get3A_12, %get3A_13] : memref<128x128xf32, #tpu.memory_space<vmem>>, vector<128x128xf32>
    %dot_general3A = arith.constant dense<0.000000e+00> : vector<2000x128xf32>
    %dot_general3A_15 = tpu.matmul %get3A_11, %get3A_14, %dot_general3A {dimension_numbers = #tpu.dot_dimension_numbers<[1], [1], [0], [0], [0, 0, 1, 0], [], []>, transpose_lhs_hint = false} : vector<2000x128xf32>, vector<128x128xf32>, vector<2000x128xf32> -> vector<2000x128xf32>
    %get3A_16 = arith.constant 0 : index
    %get3A_17 = arith.constant 0 : index
    %get3A_18 = vector.load %arg5[%get3A_16, %get3A_17] : memref<1x128xf32, #tpu.memory_space<vmem>>, vector<1x128xf32>
    %add3A_19 = vector.broadcast %get3A_18 : vector<1x128xf32> to vector<2000x128xf32>
    %add3A_20 = arith.addf %dot_general3A_15, %add3A_19 : vector<2000x128xf32>
    %get3A_21 = arith.constant 0 : index
    %get3A_22 = arith.constant 0 : index
    %get3A_23 = vector.load %arg3[%get3A_21, %get3A_22] : memref<128x128xf32, #tpu.memory_space<vmem>>, vector<128x128xf32>
    %dot_general3A_24 = arith.constant dense<0.000000e+00> : vector<2000x128xf32>
    %dot_general3A_25 = tpu.matmul %add3A, %get3A_23, %dot_general3A_24 {dimension_numbers = #tpu.dot_dimension_numbers<[1], [1], [0], [0], [0, 0, 1, 0], [], []>, transpose_lhs_hint = false} : vector<2000x128xf32>, vector<128x128xf32>, vector<2000x128xf32> -> vector<2000x128xf32>
    %add3A_26 = arith.addf %add3A_20, %dot_general3A_25 : vector<2000x128xf32>
    %swap3A = arith.constant 0 : index
    %swap3A_27 = arith.constant 0 : index
    %swap3A_28 = vector.load %arg6[%swap3A, %swap3A_27] : memref<2000x128xf32, #tpu.memory_space<vmem>>, vector<2000x128xf32>
    tpu.vector_store %arg6[%swap3A, %swap3A_27], %add3A_26 {strides = array<i32>} : memref<2000x128xf32, #tpu.memory_space<vmem>>, vector<2000x128xf32>,
    return
  }
  func.func @transform_0(%arg0: i32) -> (i32, i32) {
    %c0_i32 = arith.constant 0 : i32
    %c0_i32_0 = arith.constant 0 : i32
    return %arg0, %c0_i32 : i32, i32
  }
  func.func @transform_1(%arg0: i32) -> (i32, i32, i32) {
    %c0_i32 = arith.constant 0 : i32
    %c0_i32_0 = arith.constant 0 : i32
    %c0_i32_1 = arith.constant 0 : i32
    return %c0_i32, %arg0, %c0_i32_0 : i32, i32, i32
  }
  func.func @transform_2(%arg0: i32) -> (i32, i32) {
    %c0_i32 = arith.constant 0 : i32
    %c0_i32_0 = arith.constant 0 : i32
    %c0_i32_1 = arith.constant 0 : i32
    return %c0_i32, %c0_i32_0 : i32, i32
  }
  func.func @transform_3(%arg0: i32) -> (i32, i32) {
    %c0_i32 = arith.constant 0 : i32
    %c0_i32_0 = arith.constant 0 : i32
    %c0_i32_1 = arith.constant 0 : i32
    return %c0_i32, %c0_i32_0 : i32, i32
  }
  func.func @transform_4(%arg0: i32) -> (i32, i32) {
    %c0_i32 = arith.constant 0 : i32
    %c0_i32_0 = arith.constant 0 : i32
    %c0_i32_1 = arith.constant 0 : i32
    return %c0_i32, %c0_i32_0 : i32, i32
  }
  func.func @transform_5(%arg0: i32) -> (i32, i32) {
    %c0_i32 = arith.constant 0 : i32
    %c0_i32_0 = arith.constant 0 : i32
    return %arg0, %c0_i32 : i32, i32
  }
}

</mosaic_0001>

<sc_bundles>
// kernel: kernel.4.cloned.1.call-start
scs
__scs_entry_jumppad:
0x0: {  	(pc) =	sbr.rel $0x88, $3  }
0x1: {  	(tag) =	ssettag $0x0;
	lr =	simm.s32 $0x1  }
0x2: {  	[smem:$0x3F9C] =	sst lr;
	_ =	strace $0xD0000000  }
0x3: {  	_ = 	snop  }
0x4: {  	_ = 	snop  }
0x5: {  	_ = 	snop  }
0x6: {  	_ = 	snop  }
0x7: {  	_ = 	snop  }
__scs_overlays_trampoline_lowered:
0x8: {  	[smem:$0x3FAB] =	sst s0  }
0x9: {  	[smem:$0x3FAC] =	sst s1  }
0xa: {  	[smem:$0x3FAD] =	sst s2  }
0xb: {  	[smem:$0x3FAE] =	sst s3  }
0xc: {  	[smem:$0x3FAF] =	sst s4  }
0xd: {  	[smem:$0x3FB0] =	sst s5  }
0xe: {  	[smem:$0x3FB1] =	sst s6  }
0xf: {  	[smem:$0x3FB2] =	sst s7  }
0x10: {  	[smem:$0x3FB3] =	sst s8  }
0x11: {  	[smem:$0x3FB4] =	sst s9;
	s0 =	simm.s32 @!p0 $0x0  }
0x12: {  	s1 =	sld [smem:$0x3F9A];
	s0 =	simm.s32 @p0 $0x1  }
0x13: {  	[smem:$0x3FB5] =	sst s0;
	s0 =	simm.s32 @!p1 $0x0  }
0x14: {  	s2 =	sld [smem:$0x3F99];
	s0 =	simm.s32 @p1 $0x1  }
0x15: {  	[smem:$0x3FB6] =	sst s0;
	s0 =	simm.s32 @!p2 $0x0  }
0x16: {  	s3 =	sld [smem:$0x3FDB];
	s0 =	simm.s32 @p2 $0x1  }
0x17: {  	s4 =	simm.s32 $0x1BF5;
	[smem:$0x3FB8] =	sst s0  }
0x18: {  	s0 =	sld [smem:$0x3F9B];
	_ =	swait.ge [sflag:s4], $0x0  }
0x19: {  	s7 =	sld [smem:$0x3F9C]  }
0x1a: {  	s8 =	sadd.s32 $0xFFFFE003, lr  }
0x1b: {  	s9 =	sadd.s32 $0xFFFFFEF7, lr;
	s5 =	simm.s32 $0xFFFFFFFF;
	p2 =	slt.u32 s8, $0xFFFFF086  }
0x1c: {  	p1 =	slt.u32 s9, $0xF7A;
	s5 =	simm.s32 @!p2 $0x0  }
0x1d: {  	s5 =	simm.s32 @p1 $0x1;
	p0 =	seq.s32 s7, s2  }
0x1e: {  	s7 =	smul.u32 @!p0 $0xF7A, s2;
	p2 =	seq.s32 @!p0 s5, $0x0  }
0x1f: {  	s9 =	smul.u32 $0xF7A, s1;
	s8 =	simm.s32 @!p0 $0x1BF5;
	p2 =	por !p2, p0  }
0x20: {  	[sflag:s8] =	ssyncset.s32 @!p0 $0xFFFFF086;
	s6 =	sadd.s32 @!p0 s3, s7;
	s7 =	simm.s32 @!p0 $0x108  }
0x21: {  	s3 =	sadd.s32 s3, s9;
	s6 =	sadd.s32 @!p0 $0x88, s6;
	s7 =	simm.s32 @p2 $0x1082  }
0x22: {  	[simem:s7], [sflag:s8] =	dma.local @!p0 [hbm:s6], $0xF7A  }
0x23: {  	s9 =	sor.u32 $0xD0000000, s2;
	s6 =	simm.s32 $0x108;
	_ =	swait.ge @!p0 [sflag:s8], $0x0  }
0x24: {  	s3 =	sadd.s32 $0x88, s3;
	s6 =	simm.s32 @!p1 $0x1082;
	[sflag:s4] =	ssyncset.s32 $0xFFFFF086  }
0x25: {  	[simem:s6], [sflag:s4] =	dma.local [hbm:s3], $0xF7A  }
0x26: {  	[smem:$0x3F9C] =	sst s1;
	(tag) =	ssettag s2;
	_ =	strace s9  }
0x27: {  	s1 =	sld [smem:$0x3FAC]  }
0x28: {  	s2 =	sld [smem:$0x3FAD]  }
0x29: {  	s4 =	sld [smem:$0x3FAF]  }
0x2a: {  	p0 =	seq.s32 s5, $0x0;
	s5 =	sld [smem:$0x3FB0]  }
0x2b: {  	s6 =	sld [smem:$0x3FB1]  }
0x2c: {  	s7 =	sld [smem:$0x3FB2]  }
0x2d: {  	s3 =	simm.s32 $0x108;
	s8 =	sld [smem:$0x3FB3]  }
0x2e: {  	s3 =	simm.s32 @!p0 $0x1082;
	s9 =	sld [smem:$0x3FB4]  }
0x2f: {  	lr =	sadd.s32 s0, s3;
	s0 =	sld [smem:$0x3FAB]  }
0x30: {  	s3 =	sld [smem:$0x3FAE]  }
0x31: {  	[smem:$0x3FB7] =	sst s10  }
0x32: {  	s10 =	sld [smem:$0x3FB5];
	_ =	sdelay $0x3  }
0x33: {  	p0 =	seq.s32 s10, $0x1;
	s10 =	sld [smem:$0x3FB7];
	_ =	sdelay $0x3  }
0x34: {  	[smem:$0x3FB7] =	sst s10  }
0x35: {  	s10 =	sld [smem:$0x3FB6];
	_ =	sdelay $0x3  }
0x36: {  	p1 =	seq.s32 s10, $0x1;
	s10 =	sld [smem:$0x3FB7];
	_ =	sdelay $0x3  }
0x37: {  	[smem:$0x3FB7] =	sst s10  }
0x38: {  	s10 =	sld [smem:$0x3FB8]  }
0x39: {  	_ = 	snop;
	(pc) =	sbr.ind lr, $3  }
0x3a: {  	_ = 	snop  }
0x3b: {  	_ = 	snop  }
0x3c: {  	p2 =	seq.s32 s10, $0x1;
	s10 =	sld [smem:$0x3FB7]  }
0x3d: {  	_ =	shalt  }
0x3e: {  	_ =	shalt  }
0x3f: {  	_ =	shalt  }
0x40: {  	_ =	shalt  }
0x41: {  	_ =	shalt  }
0x42: {  	_ =	shalt  }
0x43: {  	_ =	shalt  }
0x44: {  	_ =	shalt  }
0x45: {  	_ =	shalt  }
0x46: {  	_ =	shalt  }
0x47: {  	_ =	shalt  }
0x48: {  	_ =	shalt  }
0x49: {  	_ =	shalt  }
0x4a: {  	_ =	shalt  }
0x4b: {  	_ =	shalt  }
0x4c: {  	_ =	shalt  }
0x4d: {  	_ =	shalt  }
0x4e: {  	_ =	shalt  }
0x4f: {  	_ =	shalt  }
0x50: {  	_ =	shalt  }
0x51: {  	_ =	shalt  }
0x52: {  	_ =	shalt  }
0x53: {  	_ =	shalt  }
0x54: {  	_ =	shalt  }
0x55: {  	_ =	shalt  }
0x56: {  	_ =	shalt  }
0x57: {  	_ =	shalt  }
0x58: {  	_ =	shalt  }
0x59: {  	_ =	shalt  }
0x5a: {  	_ =	shalt  }
0x5b: {  	_ =	shalt  }
0x5c: {  	_ =	shalt  }
0x5d: {  	_ =	shalt  }
0x5e: {  	_ =	shalt  }
0x5f: {  	_ =	shalt  }
0x60: {  	_ =	shalt  }
0x61: {  	_ =	shalt  }
0x62: {  	_ =	shalt  }
0x63: {  	_ =	shalt  }
0x64: {  	_ =	shalt  }
0x65: {  	_ =	shalt  }
0x66: {  	_ =	shalt  }
0x67: {  	_ =	shalt  }
0x68: {  	_ =	shalt  }
0x69: {  	_ =	shalt  }
0x6a: {  	_ =	shalt  }
0x6b: {  	_ =	shalt  }
0x6c: {  	_ =	shalt  }
0x6d: {  	_ =	shalt  }
0x6e: {  	_ =	shalt  }
0x6f: {  	_ =	shalt  }
0x70: {  	_ =	shalt  }
0x71: {  	_ =	shalt  }
0x72: {  	_ =	shalt  }
0x73: {  	_ =	shalt  }
0x74: {  	_ =	shalt  }
0x75: {  	_ =	shalt  }
0x76: {  	_ =	shalt  }
0x77: {  	_ =	shalt  }
0x78: {  	_ =	shalt  }
0x79: {  	_ =	shalt  }
0x7a: {  	_ =	shalt  }
0x7b: {  	_ =	shalt  }
0x7c: {  	_ =	shalt  }
0x7d: {  	_ =	shalt  }
0x7e: {  	_ =	shalt  }
0x7f: {  	_ =	shalt  }
0x80: {  	_ =	shalt  }
0x81: {  	_ =	shalt  }
0x82: {  	_ =	shalt  }
0x83: {  	_ =	shalt  }
0x84: {  	_ =	shalt  }
0x85: {  	_ =	shalt  }
0x86: {  	_ =	shalt  }
0x87: {  	_ =	shalt  }
.Lfunc_end0:
.L_simem_size_0:
called_computation_lowered:
.L_overlay_start_0:
0x88: {  	s2 =	sld [smem:$0x3FD9]  }
0x89: {  	s3 =	sld [smem:$0x3FFE];
	_ =	sdelay $0x1  }
0x8a: {  	s1 =	srdreg.scid  }
0x8b: {  	s0 =	sand.u32 $0x1, s1  }
0x8c: {  	s17 =	sshll.u32 s0, $0xA;
	s2 =	sadd.s32 s3, s2  }
0x8d: {  	s2 =	sadd.s32 s2, s17  }
0x8e: {  	[smem:$0x3FC3] =	sst s2  }
0x8f: {  	_ = 	snop  }
0x90: {  	s2 =	sld [smem:$0x3FC9]  }
0x91: {  	s18 =	sld [smem:$0x3FC8]  }
0x92: {  	s4 =	sld [smem:$0x3FD0];
	(tm) =	ssettm $0x1  }
0x93: {  	s5 =	sld [smem:$0x3FFB];
	_ =	sdelay $0x3  }
0x94: {  	_ =	strace s5  }
0x95: {  	s5 =	sld [smem:$0x3FFC];
	_ =	sdelay $0x3  }
0x96: {  	_ =	strace s5  }
0x97: {  	s5 =	sld [smem:$0x3FFD];
	_ =	sdelay $0x3  }
0x98: {  	_ =	strace s5  }
0x99: {  	_ =	strace $0x8FFFFFFF  }
0x9a: {  	s19 =	sld [smem:$0x3FDB];
	_ =	sdelay $0x1  }
0x9b: {  	s6 =	simm.s32 $_scs_section_size  }
0x9c: {  	s7 =	simm.s32 $_size__tile_overlayer_lowered;
	s8 =	simm.s32 $_tile_overlayer_lowered  }
0x9d: {  	s22 =	simm.s32 $0x1BFF;
	s21 =	sshll.u32 s8, $0x1;
	s5 =	sadd.s32 s6, s19  }
0x9e: {  	s9 =	simm.s32 $0x0;
	s20 =	sshll.u32 s7, $0x1;
	s7 =	sadd.s32 s21, s5  }
0x9f: {  	[timem:s9], [sflag:s22] =	dma.local [hbm:s7], s20  }
0xa0: {  	_ =	swait.ge [sflag:s22], s20  }
0xa1: {  	s6 =	ssub.s32 $0x0, s20;
	[sflag:s22] =	ssyncset.done $0x0  }
0xa2: {  	[sflag:s22] =	ssyncadd.s32 s6;
	_ =	sdelay $0x1  }
0xa3: {  	s23 =	simm.s32 $0x1B8B  }
0xa4: {  	_ =	swait.ge [sflag:s23], $0x1  }
0xa5: {  	[sflag:s23] =	ssyncset.done $0x0  }
0xa6: {  	s25 =	simm.s32 $0x1B8E;
	s24 =	sld [smem:$0x3FFE];
	[sflag:s23] =	ssyncadd.s32 $0xFFFFFFFF  }
0xa7: {  	s26 =	simm.s32 $execute0_lowered;
	[smem:$0x3FD2] =	sst s25  }
0xa8: {  	s7 =	sshll.u32 s26, $0x1;
	_ =	strace $0x80000046;
	[dreg:$0x1] =	wrdreg $0xFFFFFFFF  }
0xa9: {  	s28 =	simm.s32 $_size_execute0_lowered;
	s5 =	sadd.s32 s5, s7;
	[dreg:$0x0] =	wrdreg $0x0  }
0xaa: {  	s7 =	sshll.u32 s28, $0x1;
	[dreg:$0x2] =	wrdreg s5  }
0xab: {  	[dreg:$0x3] =	wrdreg s7  }
0xac: {  	[dreg:$0x4] =	wrdreg $0xC0  }
0xad: {  	_ =	task [dreg:s9], $0x5FFFF  }
0xae: {  	[dreg:$0x1] =	wrdreg $0xFFFFFFFF  }
0xaf: {  	[dreg:$0x0] =	wrdreg $0x60  }
0xb0: {  	[dreg:$0x2] =	wrdreg s2  }
0xb1: {  	[dreg:$0x3] =	wrdreg s18  }
0xb2: {  	[dreg:$0x4] =	wrdreg s4  }
0xb3: {  	[dreg:$0x5] =	wrdreg s24  }
0xb4: {  	[dreg:$0x6] =	wrdreg $0x84000  }
0xb5: {  	[dreg:$0x7] =	wrdreg $0x9  }
0xb6: {  	_ =	task.clear_ibuf [dreg:s9], $0x8FFFF;
	_ =	strace $0x90000046  }
0xb7: {  	s29 =	simm.s32 $0x9;
	_ =	strace $0x80000048  }
0xb8: {  	_ =	swait.ge [sflag:s29], $0x1  }
0xb9: {  	[sflag:s29] =	ssyncadd.s32 $0xFFFFFFFF  }
0xba: {  	_ =	strace $0x90000048  }
0xbb: {  	_ =	sfence  }
0xbc: {  	s30 =	sld [smem:$0x0];
	_ =	sdelay $0x2  }
0xbd: {  	s31 =	sshll.u32 s1, $0xD;
	s1 =	sshrl.u32 s1, $0x2  }
0xbe: {  	s3 =	sand.u32 $0x4000, s31;
	s1 =	sadd.s32 s1, s30  }
0xbf: {  	s0 =	sor.u32 s3, s0;
	s1 =	sshll.u32 s1, $0x11  }
0xc0: {  	s0 =	sor.u32 s1, s0  }
0xc1: {  	s0 =	sadd.s32 $0x8F2B, s0  }
0xc2: {  	[sflag:s0] =	ssyncadd.remote.s32 $0x1  }
0xc3: {  	_ =	sfence.sel $0xFFFF  }
0xc4: {  	[dreg:$0x0] =	wrdreg $0xFFFFFFFF;
	(pc) =	sbr.abs _section_cstart, $3  }
0xc5: {  	[dreg:$0x1] =	wrdreg $0xFFFFFFFF  }
0xc6: {  	_ =	task.clear_ibuf [dreg:s9], $0x2FFFF;
	_ =	strace $0x9FFFFFFF  }
0xc7: {  	(tm) =	ssettm $0x7FFFFFFF  }
tec
execute0_lowered:
.L_overlay_start_1:
0x0: {  	(tag) =	ssettag $0x1  }
0x1: {  	s0 =	rddreg [dreg:$0x0]  }
0x2: {  	s1 =	rddreg [dreg:$0x1];
	s2 =	srdreg.scid  }
0x3: {  	s3 =	rddreg [dreg:$0x3];
	s11 =	stileid.u32  }
0x4: {  	s4 =	rddreg [dreg:$0x4];
	s5 =	simm.s32 $0x0;
	s28 =	simm.s32 $0x7  }
0x5: {  	s29 =	simm.s32 $0x1;
	s30 =	simm.s32 $0x8080;
	s7 =	smul.u32 $0x14000, s11  }
0x6: {  	s31 =	simm.s32 $0x8;
	s2 =	sand.u32 $0x1, s2;
	s9 =	smul.u32 $0x50000, s11  }
0x7: {  	[smem:$0x7FF] =	sst s5;
	p0 =	sgt.u32 s11, $0x1;
	s6 =	smul.u32 $0x140000, s2  }
0x8: {  	_ =	strace $0x80000047;
	s8 =	ssub.s32 $0x2, s2;
	s2 =	sshll.u32 s2, $0x5  }
0x9: {  	s19 =	sshrl.u32 s8, $0x1;
	s9 =	sshrl.u32 s9, $0x2;
	s6 =	sadd.s32 s7, s6  }
0xa: {  	s8 =	ssub.s32 s8, s19;
	s9 =	sadd.s32 s9, s4;
	s19 =	simm.s32 $0x8000  }
0xb: {  	s7 =	sshrl.u32 s6, $0x3;
	s6 =	sshll.u32 s11, $0x6;
	s25 =	smax.u32 s8, $0x1  }
0xc: {  	s18 =	sshrl.u32 s9, $0x3;
	s8 =	simm.s32 $0x6;
	s9 =	simm.s32 $0x8280  }
0xd: {  	s11 =	simm.s32 $0x0;
	s3 =	sadd.s32 s7, s3;
	s10 =	sor.u32 s2, s6  }
0xe: {  	s20 =	sor.u32 $0x1C07, s6;
	[dreg:$0xc] =	wrdreg s25;
	s25 =	simm.s32 $0x4  }
0xf: {  	s7 =	sadd.s32 s1, s10;
	[dreg:$0x6] =	wrdreg s20;
	s3 =	sadd.s32 $0xE00, s3  }
0x10: {  	s1 =	sadd.s32 s6, s1;
	s20 =	simm.s32 $0x8100;
	s10 =	simm.s32 $0x8380  }
0x11: {  	s21 =	sadd.s32 $0x400, s7;
	s22 =	sadd.s32 $0x800, s7;
	[dreg:$0xb] =	wrdreg s3  }
0x12: {  	s23 =	sadd.s32 $0xC00, s7;
	s24 =	sadd.s32 $0x13800, s7;
	[dreg:$0x7] =	wrdreg s21  }
0x13: {  	s26 =	sadd.s32 $0x13000, s7;
	s16 =	sadd.s32 $0x13400, s7;
	[dreg:$0x8] =	wrdreg s22  }
0x14: {  	s17 =	sadd.s32 s2, s1;
	s3 =	simm.s32 $0x5;
	[dreg:$0x9] =	wrdreg s23  }
0x15: {  	s1 =	simm.s32 $0x2;
	s2 =	simm.s32 $0x8180;
	[dreg:$0xa] =	wrdreg s24  }
0x16: {  	[dreg:$0xd] =	wrdreg s26;
	s21 =	simm.s32 $0x8200;
	s22 =	simm.s32 $0x8300  }
0x17: {  	s23 =	simm.s32 $0x3;
	s24 =	simm.s32 $0x80;
	s26 =	simm.s32 $0x4000  }
.LBB2_1:
0x18: {  	s12 =	rddreg [dreg:$0x2]  }
0x19: {  	s13 =	rddreg [dreg:$0x6]  }
0x1a: {  	[spmem:s18], [sflag:s13] =	dma.local [hbm:s12], $0x2800  }
0x1b: {  	[tilespmem:s19], [sflag:$0x3] =	stream.linear.gather [hbm4b:s7+s5], $0x100, $0x38;
	[tilespmem:$0x1C400] =	vst v63  }
0x1c: {  	s12 =	rddreg [dreg:$0x7]  }
0x1d: {  	[tilespmem:s20], [sflag:$0x4] =	stream.linear.gather [hbm4b:s12+s5], $0x100, $0x38;
	[tilespmem:$0x1C400] =	vst v63  }
0x1e: {  	s13 =	rddreg [dreg:$0x8]  }
0x1f: {  	[tilespmem:s21], [sflag:$0x5] =	stream.linear.gather [hbm4b:s13+s5], $0x100, $0x38;
	[tilespmem:$0x1C400] =	vst v63  }
0x20: {  	s14 =	rddreg [dreg:$0x9]  }
0x21: {  	[tilespmem:s22], [sflag:$0x6] =	stream.linear.gather [hbm4b:s14+s5], $0x100, $0x38;
	[tilespmem:$0x1C400] =	vst v63  }
0x22: {  	_ =	swait.ge [sflag:s23], $0x100  }
0x23: {  	[sflag:s23] =	ssyncset.done $0x0  }
0x24: {  	[sflag:s23] =	ssyncadd.s32 $0xFFFFFF00  }
0x25: {  	[tilespmem:s5], [sflag:$0x1] =	stream.indirect.gather [hbm4b:s0+s24], $0x80, s19, s24, $0xb8;
	[tilespmem:$0x1C400] =	vst v63  }
0x26: {  	_ =	swait.ge [sflag:s25], $0x100  }
0x27: {  	[sflag:s25] =	ssyncset.done $0x0  }
0x28: {  	[sflag:s25] =	ssyncadd.s32 $0xFFFFFF00  }
0x29: {  	[tilespmem:s26], [sflag:$0x2] =	stream.indirect.gather [hbm4b:s0+s24], $0x80, s20, s24, $0xb8;
	[tilespmem:$0x1C400] =	vst v63  }
0x2a: {  	_ =	swait.ge [sflag:s28], $0x2800  }
0x2b: {  	[sflag:s28] =	ssyncset.done $0x0  }
0x2c: {  	[sflag:s28] =	ssyncadd.s32 $0xFFFFD800  }
0x2d: {  	[bflag:$0x0] =	sbarrier.arrive $0xFFFF  }
0x2e: {  	_ =	swait.ge [sflag:s29], $0x4000  }
0x2f: {  	[sflag:s29] =	ssyncset.done $0x0  }
0x30: {  	[sflag:s29] =	ssyncadd.s32 $0xFFFFC000  }
0x31: {  	[spmem:s4] =	stream.indirect.scatter.add.f32 [tilespmem:s5], [sflag:$0x8], $0x80, s30, s24, $0xb8;
	[tilespmem:$0x1C400] =	vst v63  }
0x32: {  	_ =	swait.ge [sflag:s31], $0x4000  }
0x33: {  	s12 =	sadd.s32 $0x0, s17;
	[sflag:s31] =	ssyncset.done $0x0  }
0x34: {  	s15 =	sadd.s32 $0x1000, s12;
	[sflag:s31] =	ssyncadd.s32 $0xFFFFC000  }
0x35: {  	[tilespmem:s19], [sflag:$0x3] =	stream.linear.gather [hbm4b:s15+s5], $0x100, $0x38;
	[tilespmem:$0x1C400] =	vst v63  }
0x36: {  	_ =	swait.ge [sflag:s3], $0x100  }
0x37: {  	[sflag:s3] =	ssyncset.done $0x0  }
0x38: {  	[sflag:s3] =	ssyncadd.s32 $0xFFFFFF00  }
0x39: {  	[tilespmem:s5], [sflag:$0x1] =	stream.indirect.gather [hbm4b:s0+s24], $0x80, s21, s24, $0xb8;
	[tilespmem:$0x1C400] =	vst v63  }
0x3a: {  	_ =	swait.ge [sflag:s1], $0x4000  }
0x3b: {  	[sflag:s1] =	ssyncset.done $0x0  }
0x3c: {  	[sflag:s1] =	ssyncadd.s32 $0xFFFFC000  }
0x3d: {  	[spmem:s4] =	stream.indirect.scatter.add.f32 [tilespmem:s26], [sflag:$0x8], $0x80, s2, s24, $0xb8;
	[tilespmem:$0x1C400] =	vst v63  }
0x3e: {  	_ =	swait.ge [sflag:s31], $0x4000  }
0x3f: {  	[sflag:s31] =	ssyncset.done $0x0  }
0x40: {  	s14 =	sadd.s32 $0x1400, s12;
	[sflag:s31] =	ssyncadd.s32 $0xFFFFC000  }
0x41: {  	[tilespmem:s20], [sflag:$0x4] =	stream.linear.gather [hbm4b:s14+s5], $0x100, $0x38;
	[tilespmem:$0x1C400] =	vst v63  }
0x42: {  	_ =	swait.ge [sflag:s8], $0x100  }
0x43: {  	[sflag:s8] =	ssyncset.done $0x0  }
0x44: {  	[sflag:s8] =	ssyncadd.s32 $0xFFFFFF00  }
0x45: {  	[tilespmem:s26], [sflag:$0x2] =	stream.indirect.gather [hbm4b:s0+s24], $0x80, s22, s24, $0xb8;
	[tilespmem:$0x1C400] =	vst v63  }
0x46: {  	_ =	swait.ge [sflag:s29], $0x4000  }
0x47: {  	[sflag:s29] =	ssyncset.done $0x0  }
0x48: {  	[sflag:s29] =	ssyncadd.s32 $0xFFFFC000  }
0x49: {  	[spmem:s4] =	stream.indirect.scatter.add.f32 [tilespmem:s5], [sflag:$0x8], $0x80, s9, s24, $0xb8;
	[tilespmem:$0x1C400] =	vst v63  }
0x4a: {  	_ =	swait.ge [sflag:s31], $0x4000  }
0x4b: {  	[sflag:s31] =	ssyncset.done $0x0  }
0x4c: {  	s15 =	sadd.s32 $0x1800, s12;
	[sflag:s31] =	ssyncadd.s32 $0xFFFFC000  }
0x4d: {  	[tilespmem:s21], [sflag:$0x5] =	stream.linear.gather [hbm4b:s15+s5], $0x100, $0x38;
	[tilespmem:$0x1C400] =	vst v63  }
0x4e: {  	_ =	swait.ge [sflag:s23], $0x100  }
0x4f: {  	[sflag:s23] =	ssyncset.done $0x0  }
0x50: {  	[sflag:s23] =	ssyncadd.s32 $0xFFFFFF00  }
0x51: {  	[tilespmem:s5], [sflag:$0x1] =	stream.indirect.gather [hbm4b:s0+s24], $0x80, s19, s24, $0xb8;
	[tilespmem:$0x1C400] =	vst v63  }
0x52: {  	_ =	swait.ge [sflag:s1], $0x4000  }
0x53: {  	[sflag:s1] =	ssyncset.done $0x0  }
0x54: {  	[sflag:s1] =	ssyncadd.s32 $0xFFFFC000  }
0x55: {  	[spmem:s4] =	stream.indirect.scatter.add.f32 [tilespmem:s26], [sflag:$0x8], $0x80, s10, s24, $0xb8;
	[tilespmem:$0x1C400] =	vst v63  }
0x56: {  	_ =	swait.ge [sflag:s31], $0x4000  }
0x57: {  	[sflag:s31] =	ssyncset.done $0x0  }
0x58: {  	s12 =	sadd.s32 $0x1C00, s12;
	[sflag:s31] =	ssyncadd.s32 $0xFFFFC000  }
0x59: {  	[tilespmem:s22], [sflag:$0x6] =	stream.linear.gather [hbm4b:s12+s5], $0x100, $0x38;
	[tilespmem:$0x1C400] =	vst v63  }
0x5a: {  	_ =	swait.ge [sflag:s25], $0x100  }
0x5b: {  	[sflag:s25] =	ssyncset.done $0x0  }
0x5c: {  	s12 =	simm.s32 $0x1000;
	[sflag:s25] =	ssyncadd.s32 $0xFFFFFF00  }
.LBB2_2:
0x5d: {  	[tilespmem:s26], [sflag:$0x2] =	stream.indirect.gather [hbm4b:s0+s24], $0x80, s20, s24, $0xb8;
	[tilespmem:$0x1C400] =	vst v63  }
0x5e: {  	s13 =	smov.u32 s12  }
0x5f: {  	p1 =	sne.s32 s12, $0x11000;
	s12 =	sadd.s32 $0x1000, s12;
	_ =	swait.ge [sflag:s29], $0x4000  }
0x60: {  	[sflag:s29] =	ssyncset.done $0x0  }
0x61: {  	[sflag:s29] =	ssyncadd.s32 $0xFFFFC000  }
0x62: {  	[spmem:s4] =	stream.indirect.scatter.add.f32 [tilespmem:s5], [sflag:$0x8], $0x80, s30, s24, $0xb8;
	[tilespmem:$0x1C400] =	vst v63  }
0x63: {  	_ =	swait.ge [sflag:s31], $0x4000  }
0x64: {  	s13 =	sadd.s32 s13, s17;
	[sflag:s31] =	ssyncset.done $0x0  }
0x65: {  	s14 =	sadd.s32 $0x1000, s13;
	[sflag:s31] =	ssyncadd.s32 $0xFFFFC000  }
0x66: {  	[tilespmem:s19], [sflag:$0x3] =	stream.linear.gather [hbm4b:s14+s5], $0x100, $0x38;
	[tilespmem:$0x1C400] =	vst v63  }
0x67: {  	_ =	swait.ge [sflag:s3], $0x100  }
0x68: {  	[sflag:s3] =	ssyncset.done $0x0  }
0x69: {  	[sflag:s3] =	ssyncadd.s32 $0xFFFFFF00  }
0x6a: {  	[tilespmem:s5], [sflag:$0x1] =	stream.indirect.gather [hbm4b:s0+s24], $0x80, s21, s24, $0xb8;
	[tilespmem:$0x1C400] =	vst v63  }
0x6b: {  	_ =	swait.ge [sflag:s1], $0x4000  }
0x6c: {  	[sflag:s1] =	ssyncset.done $0x0  }
0x6d: {  	[sflag:s1] =	ssyncadd.s32 $0xFFFFC000  }
0x6e: {  	[spmem:s4] =	stream.indirect.scatter.add.f32 [tilespmem:s26], [sflag:$0x8], $0x80, s2, s24, $0xb8;
	[tilespmem:$0x1C400] =	vst v63  }
0x6f: {  	_ =	swait.ge [sflag:s31], $0x4000  }
0x70: {  	[sflag:s31] =	ssyncset.done $0x0  }
0x71: {  	s14 =	sadd.s32 $0x1400, s13;
	[sflag:s31] =	ssyncadd.s32 $0xFFFFC000  }
0x72: {  	[tilespmem:s20], [sflag:$0x4] =	stream.linear.gather [hbm4b:s14+s5], $0x100, $0x38;
	[tilespmem:$0x1C400] =	vst v63  }
0x73: {  	_ =	swait.ge [sflag:s8], $0x100  }
0x74: {  	[sflag:s8] =	ssyncset.done $0x0  }
0x75: {  	[sflag:s8] =	ssyncadd.s32 $0xFFFFFF00  }
0x76: {  	[tilespmem:s26], [sflag:$0x2] =	stream.indirect.gather [hbm4b:s0+s24], $0x80, s22, s24, $0xb8;
	[tilespmem:$0x1C400] =	vst v63  }
0x77: {  	_ =	swait.ge [sflag:s29], $0x4000  }
0x78: {  	[sflag:s29] =	ssyncset.done $0x0  }
0x79: {  	[sflag:s29] =	ssyncadd.s32 $0xFFFFC000  }
0x7a: {  	[spmem:s4] =	stream.indirect.scatter.add.f32 [tilespmem:s5], [sflag:$0x8], $0x80, s9, s24, $0xb8;
	[tilespmem:$0x1C400] =	vst v63  }
0x7b: {  	_ =	swait.ge [sflag:s31], $0x4000  }
0x7c: {  	[sflag:s31] =	ssyncset.done $0x0  }
0x7d: {  	s14 =	sadd.s32 $0x1800, s13;
	[sflag:s31] =	ssyncadd.s32 $0xFFFFC000  }
0x7e: {  	[tilespmem:s21], [sflag:$0x5] =	stream.linear.gather [hbm4b:s14+s5], $0x100, $0x38;
	[tilespmem:$0x1C400] =	vst v63  }
0x7f: {  	_ =	swait.ge [sflag:s23], $0x100  }
0x80: {  	[sflag:s23] =	ssyncset.done $0x0  }
0x81: {  	[sflag:s23] =	ssyncadd.s32 $0xFFFFFF00  }
0x82: {  	[tilespmem:s5], [sflag:$0x1] =	stream.indirect.gather [hbm4b:s0+s24], $0x80, s19, s24, $0xb8;
	[tilespmem:$0x1C400] =	vst v63  }
0x83: {  	_ =	swait.ge [sflag:s1], $0x4000  }
0x84: {  	[sflag:s1] =	ssyncset.done $0x0  }
0x85: {  	[sflag:s1] =	ssyncadd.s32 $0xFFFFC000  }
0x86: {  	[spmem:s4] =	stream.indirect.scatter.add.f32 [tilespmem:s26], [sflag:$0x8], $0x80, s10, s24, $0xb8;
	[tilespmem:$0x1C400] =	vst v63  }
0x87: {  	_ =	swait.ge [sflag:s31], $0x4000  }
0x88: {  	[sflag:s31] =	ssyncset.done $0x0  }
.Ltmp0:
0x89: {  	s13 =	sadd.s32 $0x1C00, s13;
	[sflag:s31] =	ssyncadd.s32 $0xFFFFC000;
	(pc) =	sbr.rel @p1 .LBB2_2-.Ltmp0, $4  }
0x8a: {  	[tilespmem:s22], [sflag:$0x6] =	stream.linear.gather [hbm4b:s13+s5], $0x100, $0x38;
	[tilespmem:$0x1C400] =	vst v63  }
0x8b: {  	_ =	swait.ge [sflag:s25], $0x100  }
0x8c: {  	[sflag:s25] =	ssyncset.done $0x0  }
0x8d: {  	[sflag:s25] =	ssyncadd.s32 $0xFFFFFF00  }
0x8e: {  	[tilespmem:s26], [sflag:$0x2] =	stream.indirect.gather [hbm4b:s0+s24], $0x80, s20, s24, $0xb8;
	[tilespmem:$0x1C400] =	vst v63  }
0x8f: {  	_ =	swait.ge [sflag:s29], $0x4000  }
0x90: {  	[sflag:s29] =	ssyncset.done $0x0  }
0x91: {  	[sflag:s29] =	ssyncadd.s32 $0xFFFFC000  }
0x92: {  	[spmem:s4] =	stream.indirect.scatter.add.f32 [tilespmem:s5], [sflag:$0x8], $0x80, s30, s24, $0xb8;
	[tilespmem:$0x1C400] =	vst v63  }
0x93: {  	_ =	swait.ge [sflag:s31], $0x4000  }
0x94: {  	[sflag:s31] =	ssyncset.done $0x0  }
0x95: {  	s12 =	rddreg [dreg:$0xd];
	[sflag:s31] =	ssyncadd.s32 $0xFFFFC000  }
0x96: {  	[tilespmem:s19], [sflag:$0x3] =	stream.linear.gather [hbm4b:s12+s5], $0x100, $0x38;
	[tilespmem:$0x1C400] =	vst v63  }
0x97: {  	_ =	swait.ge [sflag:s3], $0x100  }
0x98: {  	[sflag:s3] =	ssyncset.done $0x0  }
0x99: {  	[sflag:s3] =	ssyncadd.s32 $0xFFFFFF00  }
0x9a: {  	[tilespmem:s5], [sflag:$0x1] =	stream.indirect.gather [hbm4b:s0+s24], $0x80, s21, s24, $0xb8;
	[tilespmem:$0x1C400] =	vst v63  }
0x9b: {  	_ =	swait.ge [sflag:s1], $0x4000  }
0x9c: {  	[sflag:s1] =	ssyncset.done $0x0  }
0x9d: {  	[sflag:s1] =	ssyncadd.s32 $0xFFFFC000  }
0x9e: {  	[spmem:s4] =	stream.indirect.scatter.add.f32 [tilespmem:s26], [sflag:$0x8], $0x80, s2, s24, $0xb8;
	[tilespmem:$0x1C400] =	vst v63  }
0x9f: {  	_ =	swait.ge [sflag:s31], $0x4000  }
0xa0: {  	[sflag:s31] =	ssyncset.done $0x0  }
0xa1: {  	[sflag:s31] =	ssyncadd.s32 $0xFFFFC000  }
0xa2: {  	[tilespmem:s20], [sflag:$0x4] =	stream.linear.gather [hbm4b:s16+s5], $0x100, $0x38;
	[tilespmem:$0x1C400] =	vst v63  }
0xa3: {  	_ =	swait.ge [sflag:s8], $0x100  }
0xa4: {  	[sflag:s8] =	ssyncset.done $0x0  }
0xa5: {  	[sflag:s8] =	ssyncadd.s32 $0xFFFFFF00  }
0xa6: {  	[tilespmem:s26], [sflag:$0x2] =	stream.indirect.gather [hbm4b:s0+s24], $0x80, s22, s24, $0xb8;
	[tilespmem:$0x1C400] =	vst v63  }
0xa7: {  	_ =	swait.ge [sflag:s29], $0x4000  }
0xa8: {  	[sflag:s29] =	ssyncset.done $0x0  }
0xa9: {  	[sflag:s29] =	ssyncadd.s32 $0xFFFFC000  }
0xaa: {  	[spmem:s4] =	stream.indirect.scatter.add.f32 [tilespmem:s5], [sflag:$0x8], $0x80, s9, s24, $0xb8;
	[tilespmem:$0x1C400] =	vst v63  }
0xab: {  	_ =	swait.ge [sflag:s31], $0x4000  }
0xac: {  	[sflag:s31] =	ssyncset.done $0x0  }
0xad: {  	[sflag:s31] =	ssyncadd.s32 $0xFFFFC000  }
0xae: {  	_ =	swait.ge [sflag:s23], $0x100  }
0xaf: {  	[sflag:s23] =	ssyncset.done $0x0  }
0xb0: {  	[sflag:s23] =	ssyncadd.s32 $0xFFFFFF00  }
0xb1: {  	[tilespmem:s5], [sflag:$0x1] =	stream.indirect.gather [hbm4b:s0+s24], $0x80, s19, s24, $0xb8;
	[tilespmem:$0x1C400] =	vst v63  }
0xb2: {  	_ =	swait.ge [sflag:s1], $0x4000  }
0xb3: {  	[sflag:s1] =	ssyncset.done $0x0  }
0xb4: {  	[sflag:s1] =	ssyncadd.s32 $0xFFFFC000  }
0xb5: {  	[spmem:s4] =	stream.indirect.scatter.add.f32 [tilespmem:s26], [sflag:$0x8], $0x80, s10, s24, $0xb8;
	[tilespmem:$0x1C400] =	vst v63  }
0xb6: {  	_ =	swait.ge [sflag:s31], $0x4000  }
0xb7: {  	[sflag:s31] =	ssyncset.done $0x0  }
0xb8: {  	[sflag:s31] =	ssyncadd.s32 $0xFFFFC000  }
0xb9: {  	_ =	swait.ge [sflag:s25], $0x100  }
0xba: {  	[sflag:s25] =	ssyncset.done $0x0  }
0xbb: {  	[sflag:s25] =	ssyncadd.s32 $0xFFFFFF00  }
0xbc: {  	[tilespmem:s26], [sflag:$0x2] =	stream.indirect.gather [hbm4b:s0+s24], $0x80, s20, s24, $0xb8;
	[tilespmem:$0x1C400] =	vst v63  }
0xbd: {  	_ =	swait.ge [sflag:s29], $0x4000  }
0xbe: {  	[sflag:s29] =	ssyncset.done $0x0  }
0xbf: {  	[sflag:s29] =	ssyncadd.s32 $0xFFFFC000  }
0xc0: {  	[spmem:s4] =	stream.indirect.scatter.add.f32 [tilespmem:s5], [sflag:$0x8], $0x80, s30, s24, $0xb8;
	[tilespmem:$0x1C400] =	vst v63  }
0xc1: {  	_ =	swait.ge [sflag:s31], $0x4000  }
0xc2: {  	[sflag:s31] =	ssyncset.done $0x0  }
0xc3: {  	[sflag:s31] =	ssyncadd.s32 $0xFFFFC000  }
0xc4: {  	_ =	swait.ge [sflag:s1], $0x4000  }
0xc5: {  	[sflag:s1] =	ssyncset.done $0x0  }
0xc6: {  	[sflag:s1] =	ssyncadd.s32 $0xFFFFC000  }
0xc7: {  	[spmem:s4] =	stream.indirect.scatter.add.f32 [tilespmem:s26], [sflag:$0x8], $0x80, s2, s24, $0xb8;
	[tilespmem:$0x1C400] =	vst v63  }
0xc8: {  	_ =	swait.ge [sflag:s31], $0x4000  }
0xc9: {  	s13 =	simm.s32 @!p0 $0x8000;
	[sflag:s31] =	ssyncset.done $0x0  }
0xca: {  	s12 =	simm.s32 @!p0 $0x0;
	s14 =	rddreg [dreg:$0xa];
	[sflag:s31] =	ssyncadd.s32 $0xFFFFC000  }
0xcb: {  	[tilespmem:s13], [sflag:$0x8] =	stream.linear.gather @!p0 [hbm4b:s14+s12], $0x100, $0x38;
	[tilespmem:$0x1C400] =	vst v63  }
0xcc: {  	s14 =	simm.s32 @!p0 $0x8  }
0xcd: {  	_ =	swait.ge @!p0 [sflag:s14], $0x100  }
0xce: {  	[sflag:s14] =	ssyncset.done @!p0 $0x0  }
0xcf: {  	s15 =	simm.s32 @!p0 $0x80;
	[sflag:s14] =	ssyncadd.s32 @!p0 $0xFFFFFF00  }
0xd0: {  	[tilespmem:s12], [sflag:$0x1] =	stream.indirect.gather @!p0 [hbm4b:s0+s15], $0x80, s13, s15, $0xb8;
	[tilespmem:$0x1C400] =	vst v63  }
0xd1: {  	s13 =	simm.s32 @!p0 $0x1  }
0xd2: {  	_ =	swait.ge @!p0 [sflag:s13], $0x4000  }
0xd3: {  	[sflag:s13] =	ssyncset.done @!p0 $0x0  }
0xd4: {  	[sflag:s13] =	ssyncadd.s32 @!p0 $0xFFFFC000;
	s13 =	simm.s32 @!p0 $0x8080  }
0xd5: {  	[spmem:s4] =	stream.indirect.scatter.add.f32 @!p0 [tilespmem:s12], [sflag:$0x8], $0x80, s13, s15, $0xb8;
	[tilespmem:$0x1C400] =	vst v63  }
0xd6: {  	_ =	swait.ge @!p0 [sflag:s14], $0x4000  }
0xd7: {  	[sflag:s14] =	ssyncset.done @!p0 $0x0  }
0xd8: {  	[sflag:s14] =	ssyncadd.s32 @!p0 $0xFFFFC000  }
0xd9: {  	[bflag:$0x0] =	sbarrier.arrive $0xFFFF  }
0xda: {  	s13 =	sor.u32 $0x1C08, s6;
	s14 =	rddreg [dreg:$0xb]  }
0xdb: {  	[hbm:s14], [sflag:s13] =	dma.local [spmem:s18], $0x2800  }
0xdc: {  	_ =	swait.ge [sflag:s31], $0x2800  }
0xdd: {  	s11 =	sadd.s32 $0x1, s11;
	s15 =	rddreg [dreg:$0xc]  }
0xde: {  	p1 =	sne.s32 s11, s15  }
.Ltmp1:
0xdf: {  	_ = 	snop;
	(pc) =	sbr.rel @p1 .LBB2_1-.Ltmp1, $3  }
0xe0: {  	_ =	sdelay $0x1  }
0xe1: {  	[sflag:s31] =	ssyncset.done $0x0  }
0xe2: {  	[sflag:s31] =	ssyncadd.s32 $0xFFFFD800  }
0xe3: {  	_ =	sfence.sel $0x180000  }
0xe4: {  	[bflag:$0x0] =	sbarrier.arrive $0xFFFF  }
0xe5: {  	_ =	strace $0x90000047  }
0xe6: {  	s0 =	stileid.u32;
	[bflag:$0x2] =	sbarrier.arrive $0xFFFF  }
0xe7: {  	p0 =	sne.s32 s0, $0x0;
	s0 =	rddreg [dreg:$0x5]  }
0xe8: {  	s0 =	sadd.s32 @!p0 $0x100000, s0  }
0xe9: {  	[sflag:s0] =	ssyncadd.tile.s32 @!p0 $0x1;
	_ =	shalt  }
.Lfunc_end2:
_tile_overlayer_lowered:
.L_overlay_start_2:
0xea: {  	(tag) =	ssettag $0x2  }
0xeb: {  	s0 =	rddreg [dreg:$0x0];
	s2 =	stileid.u32  }
0xec: {  	s1 =	rddreg [dreg:$0x1];
	p0 =	sne.s32 s2, $0x0  }
0xed: {  	s3 =	rddreg [dreg:$0x2];
	[bflag:$0x3] =	sbarrier.arrive $0xFFFF;
	s2 =	simm.s32 @!p0 $0x1C08  }
0xee: {  	[timem:s3], [sflag:s2] =	dma.local @!p0 [hbm:s0], s1  }
0xef: {  	s0 =	simm.s32 @!p0 $0x8  }
0xf0: {  	_ =	swait.ge @!p0 [sflag:s0], s1  }
0xf1: {  	s1 =	ssub.s32 @!p0 $0x0, s1;
	[sflag:s0] =	ssyncset.done @!p0 $0x0  }
0xf2: {  	[sflag:s0] =	ssyncadd.s32 @!p0 s1  }
0xf3: {  	[bflag:$0x3] =	sbarrier.arrive $0xFFFF  }
0xf4: {  	_ =	shalt  }

</sc_bundles>
